<compile_context>
chip_gen: v7x
topology: tpu7x:2x2x1
jax: 0.10.2.dev20260603
libtpu: 0.0.44.dev20260713+nightly
codegen_flags: <defaults>
</compile_context>

<pallas_src>
import functools

import jax
import jax.numpy as jnp
from jax import lax
from jax.experimental import pallas as pl
from jax.experimental.pallas import tpu as pltpu
from jax.experimental.pallas import tpu_sc as plsc

EMBED = 64
NUM_CORES = 2
NUM_SUBCORES = 16
NUM_WORKERS = NUM_CORES * NUM_SUBCORES
CHUNK = 128


def _sc_gather_concat(a_idx, p_idx, y_idx, author_table, publisher_table,
                      year_table):
    batch = a_idx.shape[0]
    b_per_w = batch // NUM_WORKERS
    n_chunks = b_per_w // CHUNK

    mesh = plsc.VectorSubcoreMesh(core_axis_name="c", subcore_axis_name="s")

    @functools.partial(
        pl.kernel,
        mesh=mesh,
        out_type=jax.ShapeDtypeStruct((batch, 3 * EMBED), jnp.float32),
        scratch_types=[
            pltpu.VMEM((b_per_w,), jnp.int32),
            pltpu.VMEM((b_per_w,), jnp.int32),
            pltpu.VMEM((b_per_w,), jnp.int32),
            pltpu.VMEM((b_per_w, EMBED), jnp.float32),
            pltpu.VMEM((b_per_w, EMBED), jnp.float32),
            pltpu.VMEM((b_per_w, EMBED), jnp.float32),
            pltpu.SemaphoreType.DMA,
            pltpu.SemaphoreType.DMA,
            pltpu.SemaphoreType.DMA,
        ],
        compiler_params=pltpu.CompilerParams(use_tc_tiling_on_sc=False),
    )
    def sc_gather3(a_hbm, p_hbm, y_hbm, ai, pi, yi, out,
                   ai_v, pi_v, yi_v, ar_v, pr_v, yr_v,
                   sem_a, sem_p, sem_y):
        wid = lax.axis_index("s") * NUM_CORES + lax.axis_index("c")
        base = wid * b_per_w
        la = pltpu.async_copy(ai.at[pl.ds(base, b_per_w)], ai_v, sem_a)
        lp = pltpu.async_copy(pi.at[pl.ds(base, b_per_w)], pi_v, sem_p)
        ly = pltpu.async_copy(yi.at[pl.ds(base, b_per_w)], yi_v, sem_y)
        la.wait()
        lp.wait()
        ly.wait()
        ca, cp, cy = [], [], []
        for j in range(n_chunks):
            rows = pl.ds(j * CHUNK, CHUNK)
            ca.append(pltpu.async_copy(
                a_hbm.at[ai_v.at[rows]], ar_v.at[rows], sem_a))
            cp.append(pltpu.async_copy(
                p_hbm.at[pi_v.at[rows]], pr_v.at[rows], sem_p))
            cy.append(pltpu.async_copy(
                y_hbm.at[yi_v.at[rows]], yr_v.at[rows], sem_y))
        dst = pl.ds(base, b_per_w)
        for c in ca:
            c.wait()
        wa = pltpu.async_copy(ar_v, out.at[dst, pl.ds(0, EMBED)], sem_a)
        for c in cp:
            c.wait()
        wp = pltpu.async_copy(pr_v, out.at[dst, pl.ds(EMBED, EMBED)], sem_p)
        for c in cy:
            c.wait()
        wy = pltpu.async_copy(yr_v, out.at[dst, pl.ds(2 * EMBED, EMBED)],
                              sem_y)
        wa.wait()
        wp.wait()
        wy.wait()

    return sc_gather3(author_table, publisher_table, year_table,
                      a_idx, p_idx, y_idx)


def kernel(author_idx, publisher_idx, year_idx, author_table,
           publisher_table, year_table):
    a_idx = author_idx.astype(jnp.int32)
    p_idx = publisher_idx.astype(jnp.int32)
    y_idx = year_idx.astype(jnp.int32)
    return _sc_gather_concat(a_idx, p_idx, y_idx, author_table,
                           publisher_table, year_table)

# --- scband reference (transcript-rebuilt; emitter-appended) ---
"""Pipeline reference for scband-item-20444044329292 (READ-ONLY COPY).

The authoritative reference and input builder live on the scoring server;
editing this copy changes nothing except your own understanding.
"""

import jax, jax.numpy as jnp
import numpy as np

NUM_AUTHOR = 28678
NUM_PUBLISHER = 5897
NUM_YEAR = 1170
EMBED = 64
BATCH = 16384

def setup_inputs(seed: int = 0) -> dict:
    key = jax.random.key(seed)
    k1, k2, k3, k4, k5, k6 = jax.random.split(key, 6)
    author_idx = jax.random.randint(k1, (BATCH,), 0, NUM_AUTHOR, dtype=jnp.int64) if jax.config.jax_enable_x64 else jax.random.randint(k1, (BATCH,), 0, NUM_AUTHOR, dtype=jnp.int32)
    publisher_idx = jax.random.randint(k2, (BATCH,), 0, NUM_PUBLISHER, dtype=jnp.int32)
    year_idx = jax.random.randint(k3, (BATCH,), 0, NUM_YEAR, dtype=jnp.int32)
    author_table = jax.random.normal(k4, (NUM_AUTHOR, EMBED), dtype=jnp.float32)
    publisher_table = jax.random.normal(k5, (NUM_PUBLISHER, EMBED), dtype=jnp.float32)
    year_table = jax.random.normal(k6, (NUM_YEAR, EMBED), dtype=jnp.float32)
    return {
        "author_idx": author_idx,
        "publisher_idx": publisher_idx,
        "year_idx": year_idx,
        "author_table": author_table,
        "publisher_table": publisher_table,
        "year_table": year_table,
    }

def reference(author_idx, publisher_idx, year_idx, author_table, publisher_table, year_table):
    author_emb = jnp.take(author_table, author_idx, axis=0)
    publisher_emb = jnp.take(publisher_table, publisher_idx, axis=0)
    year_emb = jnp.take(year_table, year_idx, axis=0)
    return jnp.concatenate((author_emb, publisher_emb, year_emb), axis=1)

if __name__ == "__main__":
    import jax
    _d = setup_inputs()
    print(jax.jit(kernel)(*tuple(_d.values())))

</pallas_src>

<mosaic_0001>
#map = affine_map<(d0, d1) -> (0, 0)>
#map1 = affine_map<(d0, d1) -> (0)>
module attributes {stable_mosaic.version = 14 : i64} {
  func.func @sc_gather3(%arg0: i32, %arg1: i32, %arg2: memref<28678x64xf32, #tpu.memory_space<hbm>>, %arg3: memref<5897x64xf32, #tpu.memory_space<hbm>>, %arg4: memref<1170x64xf32, #tpu.memory_space<hbm>>, %arg5: memref<16384xi32, #tpu.memory_space<hbm>>, %arg6: memref<16384xi32, #tpu.memory_space<hbm>>, %arg7: memref<16384xi32, #tpu.memory_space<hbm>>, %arg8: memref<16384x192xf32, #tpu.memory_space<hbm>>, %arg9: memref<512xi32, #tpu.memory_space<vmem>>, %arg10: memref<512xi32, #tpu.memory_space<vmem>>, %arg11: memref<512xi32, #tpu.memory_space<vmem>>, %arg12: memref<512x64xf32, #tpu.memory_space<vmem>>, %arg13: memref<512x64xf32, #tpu.memory_space<vmem>>, %arg14: memref<512x64xf32, #tpu.memory_space<vmem>>, %arg15: memref<!tpu.dma_semaphore, #tpu.memory_space<semaphore_mem>>, %arg16: memref<!tpu.dma_semaphore, #tpu.memory_space<semaphore_mem>>, %arg17: memref<!tpu.dma_semaphore, #tpu.memory_space<semaphore_mem>>) attributes {dimension_semantics = [#tpu.dimension_semantics<core_parallel>, #tpu.dimension_semantics<subcore_parallel>], iteration_bounds = array<i64: 2, 16>, scalar_prefetch = 0 : i64, scratch_operands = 9 : i64, tpu.core_type = #tpu.core_type<sc_vector_subcore>, window_params = [{transform_indices = #map}, {transform_indices = #map}, {transform_indices = #map}, {transform_indices = #map1}, {transform_indices = #map1}, {transform_indices = #map1}, {transform_indices = #map}]} {
    %mul3A = arith.constant 2 : i32
    %mul3A_0 = arith.muli %arg1, %mul3A : i32
    %add3A = arith.addi %mul3A_0, %arg0 : i32
    %mul3A_1 = arith.constant 512 : i32
    %mul3A_2 = arith.muli %add3A, %mul3A_1 : i32
    %dma_start3A = tpu.memref_slice %arg5[%mul3A_2] : memref<16384xi32, #tpu.memory_space<hbm>> -> memref<512xi32, #tpu.memory_space<hbm>>
    %dma_start3A_3 = tpu.memref_slice %arg5[%mul3A_2] : memref<16384xi32, #tpu.memory_space<hbm>> -> memref<512xi32, #tpu.memory_space<hbm>>
    tpu.enqueue_dma source(%dma_start3A_3 : memref<512xi32, #tpu.memory_space<hbm>>) target(%arg9 : memref<512xi32, #tpu.memory_space<vmem>>) target_semaphore(%arg15 : memref<!tpu.dma_semaphore, #tpu.memory_space<semaphore_mem>>)
    %dma_start3A_4 = tpu.memref_slice %arg6[%mul3A_2] : memref<16384xi32, #tpu.memory_space<hbm>> -> memref<512xi32, #tpu.memory_space<hbm>>
    %dma_start3A_5 = tpu.memref_slice %arg6[%mul3A_2] : memref<16384xi32, #tpu.memory_space<hbm>> -> memref<512xi32, #tpu.memory_space<hbm>>
    tpu.enqueue_dma source(%dma_start3A_5 : memref<512xi32, #tpu.memory_space<hbm>>) target(%arg10 : memref<512xi32, #tpu.memory_space<vmem>>) target_semaphore(%arg16 : memref<!tpu.dma_semaphore, #tpu.memory_space<semaphore_mem>>)
    %dma_start3A_6 = tpu.memref_slice %arg7[%mul3A_2] : memref<16384xi32, #tpu.memory_space<hbm>> -> memref<512xi32, #tpu.memory_space<hbm>>
    %dma_start3A_7 = tpu.memref_slice %arg7[%mul3A_2] : memref<16384xi32, #tpu.memory_space<hbm>> -> memref<512xi32, #tpu.memory_space<hbm>>
    tpu.enqueue_dma source(%dma_start3A_7 : memref<512xi32, #tpu.memory_space<hbm>>) target(%arg11 : memref<512xi32, #tpu.memory_space<vmem>>) target_semaphore(%arg17 : memref<!tpu.dma_semaphore, #tpu.memory_space<semaphore_mem>>)
    %dma_wait3A = tpu.memref_slice %arg5[%mul3A_2] : memref<16384xi32, #tpu.memory_space<hbm>> -> memref<512xi32, #tpu.memory_space<hbm>>
    %dma_wait3A_8 = tpu.memref_slice %arg5[%mul3A_2] : memref<16384xi32, #tpu.memory_space<hbm>> -> memref<512xi32, #tpu.memory_space<hbm>>
    tpu.wait_dma2 semaphore(%arg15 : memref<!tpu.dma_semaphore, #tpu.memory_space<semaphore_mem>>) src(%dma_wait3A_8 : memref<512xi32, #tpu.memory_space<hbm>>) dst(%arg9 : memref<512xi32, #tpu.memory_space<vmem>>)
    %dma_wait3A_9 = tpu.memref_slice %arg6[%mul3A_2] : memref<16384xi32, #tpu.memory_space<hbm>> -> memref<512xi32, #tpu.memory_space<hbm>>
    %dma_wait3A_10 = tpu.memref_slice %arg6[%mul3A_2] : memref<16384xi32, #tpu.memory_space<hbm>> -> memref<512xi32, #tpu.memory_space<hbm>>
    tpu.wait_dma2 semaphore(%arg16 : memref<!tpu.dma_semaphore, #tpu.memory_space<semaphore_mem>>) src(%dma_wait3A_10 : memref<512xi32, #tpu.memory_space<hbm>>) dst(%arg10 : memref<512xi32, #tpu.memory_space<vmem>>)
    %dma_wait3A_11 = tpu.memref_slice %arg7[%mul3A_2] : memref<16384xi32, #tpu.memory_space<hbm>> -> memref<512xi32, #tpu.memory_space<hbm>>
    %dma_wait3A_12 = tpu.memref_slice %arg7[%mul3A_2] : memref<16384xi32, #tpu.memory_space<hbm>> -> memref<512xi32, #tpu.memory_space<hbm>>
    tpu.wait_dma2 semaphore(%arg17 : memref<!tpu.dma_semaphore, #tpu.memory_space<semaphore_mem>>) src(%dma_wait3A_12 : memref<512xi32, #tpu.memory_space<hbm>>) dst(%arg11 : memref<512xi32, #tpu.memory_space<vmem>>)
    %dma_start3A_13 = arith.constant 0 : i32
    %dma_start3A_14 = arith.constant 0 : i32
    %dma_start3A_15 = tpu.memref_slice %arg12[%dma_start3A_13, %dma_start3A_14] : memref<512x64xf32, #tpu.memory_space<vmem>> -> memref<128x64xf32, #tpu.memory_space<vmem>>
    %dma_start3A_16 = arith.constant 0 : i32
    %dma_start3A_17 = tpu.memref_slice %arg9[%dma_start3A_16] : memref<512xi32, #tpu.memory_space<vmem>> -> memref<128xi32, #tpu.memory_space<vmem>>
    %dma_start3A_18 = arith.constant 0 : i32
    %dma_start3A_19 = arith.constant 0 : i32
    %dma_start3A_20 = tpu.memref_slice %arg2[%dma_start3A_18, %dma_start3A_19] : memref<28678x64xf32, #tpu.memory_space<hbm>> -> memref<28678x64xf32, #tpu.memory_space<hbm>>
    tpu.enqueue_indirect_dma source(%dma_start3A_20 : memref<28678x64xf32, #tpu.memory_space<hbm>>) target(%dma_start3A_15 : memref<128x64xf32, #tpu.memory_space<vmem>>) offsets(%dma_start3A_17 : memref<128xi32, #tpu.memory_space<vmem>>) semaphore(%arg15 : memref<!tpu.dma_semaphore, #tpu.memory_space<semaphore_mem>>)
    %dma_start3A_21 = arith.constant 0 : i32
    %dma_start3A_22 = arith.constant 0 : i32
    %dma_start3A_23 = tpu.memref_slice %arg13[%dma_start3A_21, %dma_start3A_22] : memref<512x64xf32, #tpu.memory_space<vmem>> -> memref<128x64xf32, #tpu.memory_space<vmem>>
    %dma_start3A_24 = arith.constant 0 : i32
    %dma_start3A_25 = tpu.memref_slice %arg10[%dma_start3A_24] : memref<512xi32, #tpu.memory_space<vmem>> -> memref<128xi32, #tpu.memory_space<vmem>>
    %dma_start3A_26 = arith.constant 0 : i32
    %dma_start3A_27 = arith.constant 0 : i32
    %dma_start3A_28 = tpu.memref_slice %arg3[%dma_start3A_26, %dma_start3A_27] : memref<5897x64xf32, #tpu.memory_space<hbm>> -> memref<5897x64xf32, #tpu.memory_space<hbm>>
    tpu.enqueue_indirect_dma source(%dma_start3A_28 : memref<5897x64xf32, #tpu.memory_space<hbm>>) target(%dma_start3A_23 : memref<128x64xf32, #tpu.memory_space<vmem>>) offsets(%dma_start3A_25 : memref<128xi32, #tpu.memory_space<vmem>>) semaphore(%arg16 : memref<!tpu.dma_semaphore, #tpu.memory_space<semaphore_mem>>)
    %dma_start3A_29 = arith.constant 0 : i32
    %dma_start3A_30 = arith.constant 0 : i32
    %dma_start3A_31 = tpu.memref_slice %arg14[%dma_start3A_29, %dma_start3A_30] : memref<512x64xf32, #tpu.memory_space<vmem>> -> memref<128x64xf32, #tpu.memory_space<vmem>>
    %dma_start3A_32 = arith.constant 0 : i32
    %dma_start3A_33 = tpu.memref_slice %arg11[%dma_start3A_32] : memref<512xi32, #tpu.memory_space<vmem>> -> memref<128xi32, #tpu.memory_space<vmem>>
    %dma_start3A_34 = arith.constant 0 : i32
    %dma_start3A_35 = arith.constant 0 : i32
    %dma_start3A_36 = tpu.memref_slice %arg4[%dma_start3A_34, %dma_start3A_35] : memref<1170x64xf32, #tpu.memory_space<hbm>> -> memref<1170x64xf32, #tpu.memory_space<hbm>>
    tpu.enqueue_indirect_dma source(%dma_start3A_36 : memref<1170x64xf32, #tpu.memory_space<hbm>>) target(%dma_start3A_31 : memref<128x64xf32, #tpu.memory_space<vmem>>) offsets(%dma_start3A_33 : memref<128xi32, #tpu.memory_space<vmem>>) semaphore(%arg17 : memref<!tpu.dma_semaphore, #tpu.memory_space<semaphore_mem>>)
    %dma_start3A_37 = arith.constant 128 : i32
    %dma_start3A_38 = arith.constant 0 : i32
    %dma_start3A_39 = tpu.memref_slice %arg12[%dma_start3A_37, %dma_start3A_38] : memref<512x64xf32, #tpu.memory_space<vmem>> -> memref<128x64xf32, #tpu.memory_space<vmem>>
    %dma_start3A_40 = arith.constant 128 : i32
    %dma_start3A_41 = tpu.memref_slice %arg9[%dma_start3A_40] : memref<512xi32, #tpu.memory_space<vmem>> -> memref<128xi32, #tpu.memory_space<vmem>>
    %dma_start3A_42 = arith.constant 0 : i32
    %dma_start3A_43 = arith.constant 0 : i32
    %dma_start3A_44 = tpu.memref_slice %arg2[%dma_start3A_42, %dma_start3A_43] : memref<28678x64xf32, #tpu.memory_space<hbm>> -> memref<28678x64xf32, #tpu.memory_space<hbm>>
    tpu.enqueue_indirect_dma source(%dma_start3A_44 : memref<28678x64xf32, #tpu.memory_space<hbm>>) target(%dma_start3A_39 : memref<128x64xf32, #tpu.memory_space<vmem>>) offsets(%dma_start3A_41 : memref<128xi32, #tpu.memory_space<vmem>>) semaphore(%arg15 : memref<!tpu.dma_semaphore, #tpu.memory_space<semaphore_mem>>)
    %dma_start3A_45 = arith.constant 128 : i32
    %dma_start3A_46 = arith.constant 0 : i32
    %dma_start3A_47 = tpu.memref_slice %arg13[%dma_start3A_45, %dma_start3A_46] : memref<512x64xf32, #tpu.memory_space<vmem>> -> memref<128x64xf32, #tpu.memory_space<vmem>>
    %dma_start3A_48 = arith.constant 128 : i32
    %dma_start3A_49 = tpu.memref_slice %arg10[%dma_start3A_48] : memref<512xi32, #tpu.memory_space<vmem>> -> memref<128xi32, #tpu.memory_space<vmem>>
    %dma_start3A_50 = arith.constant 0 : i32
    %dma_start3A_51 = arith.constant 0 : i32
    %dma_start3A_52 = tpu.memref_slice %arg3[%dma_start3A_50, %dma_start3A_51] : memref<5897x64xf32, #tpu.memory_space<hbm>> -> memref<5897x64xf32, #tpu.memory_space<hbm>>
    tpu.enqueue_indirect_dma source(%dma_start3A_52 : memref<5897x64xf32, #tpu.memory_space<hbm>>) target(%dma_start3A_47 : memref<128x64xf32, #tpu.memory_space<vmem>>) offsets(%dma_start3A_49 : memref<128xi32, #tpu.memory_space<vmem>>) semaphore(%arg16 : memref<!tpu.dma_semaphore, #tpu.memory_space<semaphore_mem>>)
    %dma_start3A_53 = arith.constant 128 : i32
    %dma_start3A_54 = arith.constant 0 : i32
    %dma_start3A_55 = tpu.memref_slice %arg14[%dma_start3A_53, %dma_start3A_54] : memref<512x64xf32, #tpu.memory_space<vmem>> -> memref<128x64xf32, #tpu.memory_space<vmem>>
    %dma_start3A_56 = arith.constant 128 : i32
    %dma_start3A_57 = tpu.memref_slice %arg11[%dma_start3A_56] : memref<512xi32, #tpu.memory_space<vmem>> -> memref<128xi32, #tpu.memory_space<vmem>>
    %dma_start3A_58 = arith.constant 0 : i32
    %dma_start3A_59 = arith.constant 0 : i32
    %dma_start3A_60 = tpu.memref_slice %arg4[%dma_start3A_58, %dma_start3A_59] : memref<1170x64xf32, #tpu.memory_space<hbm>> -> memref<1170x64xf32, #tpu.memory_space<hbm>>
    tpu.enqueue_indirect_dma source(%dma_start3A_60 : memref<1170x64xf32, #tpu.memory_space<hbm>>) target(%dma_start3A_55 : memref<128x64xf32, #tpu.memory_space<vmem>>) offsets(%dma_start3A_57 : memref<128xi32, #tpu.memory_space<vmem>>) semaphore(%arg17 : memref<!tpu.dma_semaphore, #tpu.memory_space<semaphore_mem>>)
    %dma_start3A_61 = arith.constant 256 : i32
    %dma_start3A_62 = arith.constant 0 : i32
    %dma_start3A_63 = tpu.memref_slice %arg12[%dma_start3A_61, %dma_start3A_62] : memref<512x64xf32, #tpu.memory_space<vmem>> -> memref<128x64xf32, #tpu.memory_space<vmem>>
    %dma_start3A_64 = arith.constant 256 : i32
    %dma_start3A_65 = tpu.memref_slice %arg9[%dma_start3A_64] : memref<512xi32, #tpu.memory_space<vmem>> -> memref<128xi32, #tpu.memory_space<vmem>>
    %dma_start3A_66 = arith.constant 0 : i32
    %dma_start3A_67 = arith.constant 0 : i32
    %dma_start3A_68 = tpu.memref_slice %arg2[%dma_start3A_66, %dma_start3A_67] : memref<28678x64xf32, #tpu.memory_space<hbm>> -> memref<28678x64xf32, #tpu.memory_space<hbm>>
    tpu.enqueue_indirect_dma source(%dma_start3A_68 : memref<28678x64xf32, #tpu.memory_space<hbm>>) target(%dma_start3A_63 : memref<128x64xf32, #tpu.memory_space<vmem>>) offsets(%dma_start3A_65 : memref<128xi32, #tpu.memory_space<vmem>>) semaphore(%arg15 : memref<!tpu.dma_semaphore, #tpu.memory_space<semaphore_mem>>)
    %dma_start3A_69 = arith.constant 256 : i32
    %dma_start3A_70 = arith.constant 0 : i32
    %dma_start3A_71 = tpu.memref_slice %arg13[%dma_start3A_69, %dma_start3A_70] : memref<512x64xf32, #tpu.memory_space<vmem>> -> memref<128x64xf32, #tpu.memory_space<vmem>>
    %dma_start3A_72 = arith.constant 256 : i32
    %dma_start3A_73 = tpu.memref_slice %arg10[%dma_start3A_72] : memref<512xi32, #tpu.memory_space<vmem>> -> memref<128xi32, #tpu.memory_space<vmem>>
    %dma_start3A_74 = arith.constant 0 : i32
    %dma_start3A_75 = arith.constant 0 : i32
    %dma_start3A_76 = tpu.memref_slice %arg3[%dma_start3A_74, %dma_start3A_75] : memref<5897x64xf32, #tpu.memory_space<hbm>> -> memref<5897x64xf32, #tpu.memory_space<hbm>>
    tpu.enqueue_indirect_dma source(%dma_start3A_76 : memref<5897x64xf32, #tpu.memory_space<hbm>>) target(%dma_start3A_71 : memref<128x64xf32, #tpu.memory_space<vmem>>) offsets(%dma_start3A_73 : memref<128xi32, #tpu.memory_space<vmem>>) semaphore(%arg16 : memref<!tpu.dma_semaphore, #tpu.memory_space<semaphore_mem>>)
    %dma_start3A_77 = arith.constant 256 : i32
    %dma_start3A_78 = arith.constant 0 : i32
    %dma_start3A_79 = tpu.memref_slice %arg14[%dma_start3A_77, %dma_start3A_78] : memref<512x64xf32, #tpu.memory_space<vmem>> -> memref<128x64xf32, #tpu.memory_space<vmem>>
    %dma_start3A_80 = arith.constant 256 : i32
    %dma_start3A_81 = tpu.memref_slice %arg11[%dma_start3A_80] : memref<512xi32, #tpu.memory_space<vmem>> -> memref<128xi32, #tpu.memory_space<vmem>>
    %dma_start3A_82 = arith.constant 0 : i32
    %dma_start3A_83 = arith.constant 0 : i32
    %dma_start3A_84 = tpu.memref_slice %arg4[%dma_start3A_82, %dma_start3A_83] : memref<1170x64xf32, #tpu.memory_space<hbm>> -> memref<1170x64xf32, #tpu.memory_space<hbm>>
    tpu.enqueue_indirect_dma source(%dma_start3A_84 : memref<1170x64xf32, #tpu.memory_space<hbm>>) target(%dma_start3A_79 : memref<128x64xf32, #tpu.memory_space<vmem>>) offsets(%dma_start3A_81 : memref<128xi32, #tpu.memory_space<vmem>>) semaphore(%arg17 : memref<!tpu.dma_semaphore, #tpu.memory_space<semaphore_mem>>)
    %dma_start3A_85 = arith.constant 384 : i32
    %dma_start3A_86 = arith.constant 0 : i32
    %dma_start3A_87 = tpu.memref_slice %arg12[%dma_start3A_85, %dma_start3A_86] : memref<512x64xf32, #tpu.memory_space<vmem>> -> memref<128x64xf32, #tpu.memory_space<vmem>>
    %dma_start3A_88 = arith.constant 384 : i32
    %dma_start3A_89 = tpu.memref_slice %arg9[%dma_start3A_88] : memref<512xi32, #tpu.memory_space<vmem>> -> memref<128xi32, #tpu.memory_space<vmem>>
    %dma_start3A_90 = arith.constant 0 : i32
    %dma_start3A_91 = arith.constant 0 : i32
    %dma_start3A_92 = tpu.memref_slice %arg2[%dma_start3A_90, %dma_start3A_91] : memref<28678x64xf32, #tpu.memory_space<hbm>> -> memref<28678x64xf32, #tpu.memory_space<hbm>>
    tpu.enqueue_indirect_dma source(%dma_start3A_92 : memref<28678x64xf32, #tpu.memory_space<hbm>>) target(%dma_start3A_87 : memref<128x64xf32, #tpu.memory_space<vmem>>) offsets(%dma_start3A_89 : memref<128xi32, #tpu.memory_space<vmem>>) semaphore(%arg15 : memref<!tpu.dma_semaphore, #tpu.memory_space<semaphore_mem>>)
    %dma_start3A_93 = arith.constant 384 : i32
    %dma_start3A_94 = arith.constant 0 : i32
    %dma_start3A_95 = tpu.memref_slice %arg13[%dma_start3A_93, %dma_start3A_94] : memref<512x64xf32, #tpu.memory_space<vmem>> -> memref<128x64xf32, #tpu.memory_space<vmem>>
    %dma_start3A_96 = arith.constant 384 : i32
    %dma_start3A_97 = tpu.memref_slice %arg10[%dma_start3A_96] : memref<512xi32, #tpu.memory_space<vmem>> -> memref<128xi32, #tpu.memory_space<vmem>>
    %dma_start3A_98 = arith.constant 0 : i32
    %dma_start3A_99 = arith.constant 0 : i32
    %dma_start3A_100 = tpu.memref_slice %arg3[%dma_start3A_98, %dma_start3A_99] : memref<5897x64xf32, #tpu.memory_space<hbm>> -> memref<5897x64xf32, #tpu.memory_space<hbm>>
    tpu.enqueue_indirect_dma source(%dma_start3A_100 : memref<5897x64xf32, #tpu.memory_space<hbm>>) target(%dma_start3A_95 : memref<128x64xf32, #tpu.memory_space<vmem>>) offsets(%dma_start3A_97 : memref<128xi32, #tpu.memory_space<vmem>>) semaphore(%arg16 : memref<!tpu.dma_semaphore, #tpu.memory_space<semaphore_mem>>)
    %dma_start3A_101 = arith.constant 384 : i32
    %dma_start3A_102 = arith.constant 0 : i32
    %dma_start3A_103 = tpu.memref_slice %arg14[%dma_start3A_101, %dma_start3A_102] : memref<512x64xf32, #tpu.memory_space<vmem>> -> memref<128x64xf32, #tpu.memory_space<vmem>>
    %dma_start3A_104 = arith.constant 384 : i32
    %dma_start3A_105 = tpu.memref_slice %arg11[%dma_start3A_104] : memref<512xi32, #tpu.memory_space<vmem>> -> memref<128xi32, #tpu.memory_space<vmem>>
    %dma_start3A_106 = arith.constant 0 : i32
    %dma_start3A_107 = arith.constant 0 : i32
    %dma_start3A_108 = tpu.memref_slice %arg4[%dma_start3A_106, %dma_start3A_107] : memref<1170x64xf32, #tpu.memory_space<hbm>> -> memref<1170x64xf32, #tpu.memory_space<hbm>>
    tpu.enqueue_indirect_dma source(%dma_start3A_108 : memref<1170x64xf32, #tpu.memory_space<hbm>>) target(%dma_start3A_103 : memref<128x64xf32, #tpu.memory_space<vmem>>) offsets(%dma_start3A_105 : memref<128xi32, #tpu.memory_space<vmem>>) semaphore(%arg17 : memref<!tpu.dma_semaphore, #tpu.memory_space<semaphore_mem>>)
    %dma_wait3A_109 = arith.constant 0 : i32
    %dma_wait3A_110 = arith.constant 0 : i32
    %dma_wait3A_111 = tpu.memref_slice %arg12[%dma_wait3A_109, %dma_wait3A_110] : memref<512x64xf32, #tpu.memory_space<vmem>> -> memref<128x64xf32, #tpu.memory_space<vmem>>
    %dma_wait3A_112 = arith.constant 0 : i32
    %dma_wait3A_113 = tpu.memref_slice %arg9[%dma_wait3A_112] : memref<512xi32, #tpu.memory_space<vmem>> -> memref<128xi32, #tpu.memory_space<vmem>>
    %dma_wait3A_114 = arith.constant 0 : i32
    %dma_wait3A_115 = arith.constant 0 : i32
    %dma_wait3A_116 = tpu.memref_slice %arg2[%dma_wait3A_114, %dma_wait3A_115] : memref<28678x64xf32, #tpu.memory_space<hbm>> -> memref<28678x64xf32, #tpu.memory_space<hbm>>
    tpu.wait_indirect_dma semaphore(%arg15 : memref<!tpu.dma_semaphore, #tpu.memory_space<semaphore_mem>>) src(%dma_wait3A_116 : memref<28678x64xf32, #tpu.memory_space<hbm>>) dst(%dma_wait3A_111 : memref<128x64xf32, #tpu.memory_space<vmem>>)
    %dma_wait3A_117 = arith.constant 128 : i32
    %dma_wait3A_118 = arith.constant 0 : i32
    %dma_wait3A_119 = tpu.memref_slice %arg12[%dma_wait3A_117, %dma_wait3A_118] : memref<512x64xf32, #tpu.memory_space<vmem>> -> memref<128x64xf32, #tpu.memory_space<vmem>>
    %dma_wait3A_120 = arith.constant 128 : i32
    %dma_wait3A_121 = tpu.memref_slice %arg9[%dma_wait3A_120] : memref<512xi32, #tpu.memory_space<vmem>> -> memref<128xi32, #tpu.memory_space<vmem>>
    %dma_wait3A_122 = arith.constant 0 : i32
    %dma_wait3A_123 = arith.constant 0 : i32
    %dma_wait3A_124 = tpu.memref_slice %arg2[%dma_wait3A_122, %dma_wait3A_123] : memref<28678x64xf32, #tpu.memory_space<hbm>> -> memref<28678x64xf32, #tpu.memory_space<hbm>>
    tpu.wait_indirect_dma semaphore(%arg15 : memref<!tpu.dma_semaphore, #tpu.memory_space<semaphore_mem>>) src(%dma_wait3A_124 : memref<28678x64xf32, #tpu.memory_space<hbm>>) dst(%dma_wait3A_119 : memref<128x64xf32, #tpu.memory_space<vmem>>)
    %dma_wait3A_125 = arith.constant 256 : i32
    %dma_wait3A_126 = arith.constant 0 : i32
    %dma_wait3A_127 = tpu.memref_slice %arg12[%dma_wait3A_125, %dma_wait3A_126] : memref<512x64xf32, #tpu.memory_space<vmem>> -> memref<128x64xf32, #tpu.memory_space<vmem>>
    %dma_wait3A_128 = arith.constant 256 : i32
    %dma_wait3A_129 = tpu.memref_slice %arg9[%dma_wait3A_128] : memref<512xi32, #tpu.memory_space<vmem>> -> memref<128xi32, #tpu.memory_space<vmem>>
    %dma_wait3A_130 = arith.constant 0 : i32
    %dma_wait3A_131 = arith.constant 0 : i32
    %dma_wait3A_132 = tpu.memref_slice %arg2[%dma_wait3A_130, %dma_wait3A_131] : memref<28678x64xf32, #tpu.memory_space<hbm>> -> memref<28678x64xf32, #tpu.memory_space<hbm>>
    tpu.wait_indirect_dma semaphore(%arg15 : memref<!tpu.dma_semaphore, #tpu.memory_space<semaphore_mem>>) src(%dma_wait3A_132 : memref<28678x64xf32, #tpu.memory_space<hbm>>) dst(%dma_wait3A_127 : memref<128x64xf32, #tpu.memory_space<vmem>>)
    %dma_wait3A_133 = arith.constant 384 : i32
    %dma_wait3A_134 = arith.constant 0 : i32
    %dma_wait3A_135 = tpu.memref_slice %arg12[%dma_wait3A_133, %dma_wait3A_134] : memref<512x64xf32, #tpu.memory_space<vmem>> -> memref<128x64xf32, #tpu.memory_space<vmem>>
    %dma_wait3A_136 = arith.constant 384 : i32
    %dma_wait3A_137 = tpu.memref_slice %arg9[%dma_wait3A_136] : memref<512xi32, #tpu.memory_space<vmem>> -> memref<128xi32, #tpu.memory_space<vmem>>
    %dma_wait3A_138 = arith.constant 0 : i32
    %dma_wait3A_139 = arith.constant 0 : i32
    %dma_wait3A_140 = tpu.memref_slice %arg2[%dma_wait3A_138, %dma_wait3A_139] : memref<28678x64xf32, #tpu.memory_space<hbm>> -> memref<28678x64xf32, #tpu.memory_space<hbm>>
    tpu.wait_indirect_dma semaphore(%arg15 : memref<!tpu.dma_semaphore, #tpu.memory_space<semaphore_mem>>) src(%dma_wait3A_140 : memref<28678x64xf32, #tpu.memory_space<hbm>>) dst(%dma_wait3A_135 : memref<128x64xf32, #tpu.memory_space<vmem>>)
    %dma_start3A_141 = arith.constant 0 : i32
    %dma_start3A_142 = tpu.memref_slice %arg8[%mul3A_2, %dma_start3A_141] : memref<16384x192xf32, #tpu.memory_space<hbm>> -> memref<512x64xf32, #tpu.memory_space<hbm>>
    %dma_start3A_143 = arith.constant 0 : i32
    %dma_start3A_144 = tpu.memref_slice %arg8[%mul3A_2, %dma_start3A_143] : memref<16384x192xf32, #tpu.memory_space<hbm>> -> memref<512x64xf32, #tpu.memory_space<hbm>>
    tpu.enqueue_dma source(%arg12 : memref<512x64xf32, #tpu.memory_space<vmem>>) target(%dma_start3A_144 : memref<512x64xf32, #tpu.memory_space<hbm>>) target_semaphore(%arg15 : memref<!tpu.dma_semaphore, #tpu.memory_space<semaphore_mem>>)
    %dma_wait3A_145 = arith.constant 0 : i32
    %dma_wait3A_146 = arith.constant 0 : i32
    %dma_wait3A_147 = tpu.memref_slice %arg13[%dma_wait3A_145, %dma_wait3A_146] : memref<512x64xf32, #tpu.memory_space<vmem>> -> memref<128x64xf32, #tpu.memory_space<vmem>>
    %dma_wait3A_148 = arith.constant 0 : i32
    %dma_wait3A_149 = tpu.memref_slice %arg10[%dma_wait3A_148] : memref<512xi32, #tpu.memory_space<vmem>> -> memref<128xi32, #tpu.memory_space<vmem>>
    %dma_wait3A_150 = arith.constant 0 : i32
    %dma_wait3A_151 = arith.constant 0 : i32
    %dma_wait3A_152 = tpu.memref_slice %arg3[%dma_wait3A_150, %dma_wait3A_151] : memref<5897x64xf32, #tpu.memory_space<hbm>> -> memref<5897x64xf32, #tpu.memory_space<hbm>>
    tpu.wait_indirect_dma semaphore(%arg16 : memref<!tpu.dma_semaphore, #tpu.memory_space<semaphore_mem>>) src(%dma_wait3A_152 : memref<5897x64xf32, #tpu.memory_space<hbm>>) dst(%dma_wait3A_147 : memref<128x64xf32, #tpu.memory_space<vmem>>)
    %dma_wait3A_153 = arith.constant 128 : i32
    %dma_wait3A_154 = arith.constant 0 : i32
    %dma_wait3A_155 = tpu.memref_slice %arg13[%dma_wait3A_153, %dma_wait3A_154] : memref<512x64xf32, #tpu.memory_space<vmem>> -> memref<128x64xf32, #tpu.memory_space<vmem>>
    %dma_wait3A_156 = arith.constant 128 : i32
    %dma_wait3A_157 = tpu.memref_slice %arg10[%dma_wait3A_156] : memref<512xi32, #tpu.memory_space<vmem>> -> memref<128xi32, #tpu.memory_space<vmem>>
    %dma_wait3A_158 = arith.constant 0 : i32
    %dma_wait3A_159 = arith.constant 0 : i32
    %dma_wait3A_160 = tpu.memref_slice %arg3[%dma_wait3A_158, %dma_wait3A_159] : memref<5897x64xf32, #tpu.memory_space<hbm>> -> memref<5897x64xf32, #tpu.memory_space<hbm>>
    tpu.wait_indirect_dma semaphore(%arg16 : memref<!tpu.dma_semaphore, #tpu.memory_space<semaphore_mem>>) src(%dma_wait3A_160 : memref<5897x64xf32, #tpu.memory_space<hbm>>) dst(%dma_wait3A_155 : memref<128x64xf32, #tpu.memory_space<vmem>>)
    %dma_wait3A_161 = arith.constant 256 : i32
    %dma_wait3A_162 = arith.constant 0 : i32
    %dma_wait3A_163 = tpu.memref_slice %arg13[%dma_wait3A_161, %dma_wait3A_162] : memref<512x64xf32, #tpu.memory_space<vmem>> -> memref<128x64xf32, #tpu.memory_space<vmem>>
    %dma_wait3A_164 = arith.constant 256 : i32
    %dma_wait3A_165 = tpu.memref_slice %arg10[%dma_wait3A_164] : memref<512xi32, #tpu.memory_space<vmem>> -> memref<128xi32, #tpu.memory_space<vmem>>
    %dma_wait3A_166 = arith.constant 0 : i32
    %dma_wait3A_167 = arith.constant 0 : i32
    %dma_wait3A_168 = tpu.memref_slice %arg3[%dma_wait3A_166, %dma_wait3A_167] : memref<5897x64xf32, #tpu.memory_space<hbm>> -> memref<5897x64xf32, #tpu.memory_space<hbm>>
    tpu.wait_indirect_dma semaphore(%arg16 : memref<!tpu.dma_semaphore, #tpu.memory_space<semaphore_mem>>) src(%dma_wait3A_168 : memref<5897x64xf32, #tpu.memory_space<hbm>>) dst(%dma_wait3A_163 : memref<128x64xf32, #tpu.memory_space<vmem>>)
    %dma_wait3A_169 = arith.constant 384 : i32
    %dma_wait3A_170 = arith.constant 0 : i32
    %dma_wait3A_171 = tpu.memref_slice %arg13[%dma_wait3A_169, %dma_wait3A_170] : memref<512x64xf32, #tpu.memory_space<vmem>> -> memref<128x64xf32, #tpu.memory_space<vmem>>
    %dma_wait3A_172 = arith.constant 384 : i32
    %dma_wait3A_173 = tpu.memref_slice %arg10[%dma_wait3A_172] : memref<512xi32, #tpu.memory_space<vmem>> -> memref<128xi32, #tpu.memory_space<vmem>>
    %dma_wait3A_174 = arith.constant 0 : i32
    %dma_wait3A_175 = arith.constant 0 : i32
    %dma_wait3A_176 = tpu.memref_slice %arg3[%dma_wait3A_174, %dma_wait3A_175] : memref<5897x64xf32, #tpu.memory_space<hbm>> -> memref<5897x64xf32, #tpu.memory_space<hbm>>
    tpu.wait_indirect_dma semaphore(%arg16 : memref<!tpu.dma_semaphore, #tpu.memory_space<semaphore_mem>>) src(%dma_wait3A_176 : memref<5897x64xf32, #tpu.memory_space<hbm>>) dst(%dma_wait3A_171 : memref<128x64xf32, #tpu.memory_space<vmem>>)
    %dma_start3A_177 = arith.constant 64 : i32
    %dma_start3A_178 = tpu.memref_slice %arg8[%mul3A_2, %dma_start3A_177] : memref<16384x192xf32, #tpu.memory_space<hbm>> -> memref<512x64xf32, #tpu.memory_space<hbm>>
    %dma_start3A_179 = arith.constant 64 : i32
    %dma_start3A_180 = tpu.memref_slice %arg8[%mul3A_2, %dma_start3A_179] : memref<16384x192xf32, #tpu.memory_space<hbm>> -> memref<512x64xf32, #tpu.memory_space<hbm>>
    tpu.enqueue_dma source(%arg13 : memref<512x64xf32, #tpu.memory_space<vmem>>) target(%dma_start3A_180 : memref<512x64xf32, #tpu.memory_space<hbm>>) target_semaphore(%arg16 : memref<!tpu.dma_semaphore, #tpu.memory_space<semaphore_mem>>)
    %dma_wait3A_181 = arith.constant 0 : i32
    %dma_wait3A_182 = arith.constant 0 : i32
    %dma_wait3A_183 = tpu.memref_slice %arg14[%dma_wait3A_181, %dma_wait3A_182] : memref<512x64xf32, #tpu.memory_space<vmem>> -> memref<128x64xf32, #tpu.memory_space<vmem>>
    %dma_wait3A_184 = arith.constant 0 : i32
    %dma_wait3A_185 = tpu.memref_slice %arg11[%dma_wait3A_184] : memref<512xi32, #tpu.memory_space<vmem>> -> memref<128xi32, #tpu.memory_space<vmem>>
    %dma_wait3A_186 = arith.constant 0 : i32
    %dma_wait3A_187 = arith.constant 0 : i32
    %dma_wait3A_188 = tpu.memref_slice %arg4[%dma_wait3A_186, %dma_wait3A_187] : memref<1170x64xf32, #tpu.memory_space<hbm>> -> memref<1170x64xf32, #tpu.memory_space<hbm>>
    tpu.wait_indirect_dma semaphore(%arg17 : memref<!tpu.dma_semaphore, #tpu.memory_space<semaphore_mem>>) src(%dma_wait3A_188 : memref<1170x64xf32, #tpu.memory_space<hbm>>) dst(%dma_wait3A_183 : memref<128x64xf32, #tpu.memory_space<vmem>>)
    %dma_wait3A_189 = arith.constant 128 : i32
    %dma_wait3A_190 = arith.constant 0 : i32
    %dma_wait3A_191 = tpu.memref_slice %arg14[%dma_wait3A_189, %dma_wait3A_190] : memref<512x64xf32, #tpu.memory_space<vmem>> -> memref<128x64xf32, #tpu.memory_space<vmem>>
    %dma_wait3A_192 = arith.constant 128 : i32
    %dma_wait3A_193 = tpu.memref_slice %arg11[%dma_wait3A_192] : memref<512xi32, #tpu.memory_space<vmem>> -> memref<128xi32, #tpu.memory_space<vmem>>
    %dma_wait3A_194 = arith.constant 0 : i32
    %dma_wait3A_195 = arith.constant 0 : i32
    %dma_wait3A_196 = tpu.memref_slice %arg4[%dma_wait3A_194, %dma_wait3A_195] : memref<1170x64xf32, #tpu.memory_space<hbm>> -> memref<1170x64xf32, #tpu.memory_space<hbm>>
    tpu.wait_indirect_dma semaphore(%arg17 : memref<!tpu.dma_semaphore, #tpu.memory_space<semaphore_mem>>) src(%dma_wait3A_196 : memref<1170x64xf32, #tpu.memory_space<hbm>>) dst(%dma_wait3A_191 : memref<128x64xf32, #tpu.memory_space<vmem>>)
    %dma_wait3A_197 = arith.constant 256 : i32
    %dma_wait3A_198 = arith.constant 0 : i32
    %dma_wait3A_199 = tpu.memref_slice %arg14[%dma_wait3A_197, %dma_wait3A_198] : memref<512x64xf32, #tpu.memory_space<vmem>> -> memref<128x64xf32, #tpu.memory_space<vmem>>
    %dma_wait3A_200 = arith.constant 256 : i32
    %dma_wait3A_201 = tpu.memref_slice %arg11[%dma_wait3A_200] : memref<512xi32, #tpu.memory_space<vmem>> -> memref<128xi32, #tpu.memory_space<vmem>>
    %dma_wait3A_202 = arith.constant 0 : i32
    %dma_wait3A_203 = arith.constant 0 : i32
    %dma_wait3A_204 = tpu.memref_slice %arg4[%dma_wait3A_202, %dma_wait3A_203] : memref<1170x64xf32, #tpu.memory_space<hbm>> -> memref<1170x64xf32, #tpu.memory_space<hbm>>
    tpu.wait_indirect_dma semaphore(%arg17 : memref<!tpu.dma_semaphore, #tpu.memory_space<semaphore_mem>>) src(%dma_wait3A_204 : memref<1170x64xf32, #tpu.memory_space<hbm>>) dst(%dma_wait3A_199 : memref<128x64xf32, #tpu.memory_space<vmem>>)
    %dma_wait3A_205 = arith.constant 384 : i32
    %dma_wait3A_206 = arith.constant 0 : i32
    %dma_wait3A_207 = tpu.memref_slice %arg14[%dma_wait3A_205, %dma_wait3A_206] : memref<512x64xf32, #tpu.memory_space<vmem>> -> memref<128x64xf32, #tpu.memory_space<vmem>>
    %dma_wait3A_208 = arith.constant 384 : i32
    %dma_wait3A_209 = tpu.memref_slice %arg11[%dma_wait3A_208] : memref<512xi32, #tpu.memory_space<vmem>> -> memref<128xi32, #tpu.memory_space<vmem>>
    %dma_wait3A_210 = arith.constant 0 : i32
    %dma_wait3A_211 = arith.constant 0 : i32
    %dma_wait3A_212 = tpu.memref_slice %arg4[%dma_wait3A_210, %dma_wait3A_211] : memref<1170x64xf32, #tpu.memory_space<hbm>> -> memref<1170x64xf32, #tpu.memory_space<hbm>>
    tpu.wait_indirect_dma semaphore(%arg17 : memref<!tpu.dma_semaphore, #tpu.memory_space<semaphore_mem>>) src(%dma_wait3A_212 : memref<1170x64xf32, #tpu.memory_space<hbm>>) dst(%dma_wait3A_207 : memref<128x64xf32, #tpu.memory_space<vmem>>)
    %dma_start3A_213 = arith.constant 128 : i32
    %dma_start3A_214 = tpu.memref_slice %arg8[%mul3A_2, %dma_start3A_213] : memref<16384x192xf32, #tpu.memory_space<hbm>> -> memref<512x64xf32, #tpu.memory_space<hbm>>
    %dma_start3A_215 = arith.constant 128 : i32
    %dma_start3A_216 = tpu.memref_slice %arg8[%mul3A_2, %dma_start3A_215] : memref<16384x192xf32, #tpu.memory_space<hbm>> -> memref<512x64xf32, #tpu.memory_space<hbm>>
    tpu.enqueue_dma source(%arg14 : memref<512x64xf32, #tpu.memory_space<vmem>>) target(%dma_start3A_216 : memref<512x64xf32, #tpu.memory_space<hbm>>) target_semaphore(%arg17 : memref<!tpu.dma_semaphore, #tpu.memory_space<semaphore_mem>>)
    %dma_wait3A_217 = arith.constant 0 : i32
    %dma_wait3A_218 = tpu.memref_slice %arg8[%mul3A_2, %dma_wait3A_217] : memref<16384x192xf32, #tpu.memory_space<hbm>> -> memref<512x64xf32, #tpu.memory_space<hbm>>
    %dma_wait3A_219 = arith.constant 0 : i32
    %dma_wait3A_220 = tpu.memref_slice %arg8[%mul3A_2, %dma_wait3A_219] : memref<16384x192xf32, #tpu.memory_space<hbm>> -> memref<512x64xf32, #tpu.memory_space<hbm>>
    tpu.wait_dma2 semaphore(%arg15 : memref<!tpu.dma_semaphore, #tpu.memory_space<semaphore_mem>>) src(%arg12 : memref<512x64xf32, #tpu.memory_space<vmem>>) dst(%dma_wait3A_220 : memref<512x64xf32, #tpu.memory_space<hbm>>)
    %dma_wait3A_221 = arith.constant 64 : i32
    %dma_wait3A_222 = tpu.memref_slice %arg8[%mul3A_2, %dma_wait3A_221] : memref<16384x192xf32, #tpu.memory_space<hbm>> -> memref<512x64xf32, #tpu.memory_space<hbm>>
    %dma_wait3A_223 = arith.constant 64 : i32
    %dma_wait3A_224 = tpu.memref_slice %arg8[%mul3A_2, %dma_wait3A_223] : memref<16384x192xf32, #tpu.memory_space<hbm>> -> memref<512x64xf32, #tpu.memory_space<hbm>>
    tpu.wait_dma2 semaphore(%arg16 : memref<!tpu.dma_semaphore, #tpu.memory_space<semaphore_mem>>) src(%arg13 : memref<512x64xf32, #tpu.memory_space<vmem>>) dst(%dma_wait3A_224 : memref<512x64xf32, #tpu.memory_space<hbm>>)
    %dma_wait3A_225 = arith.constant 128 : i32
    %dma_wait3A_226 = tpu.memref_slice %arg8[%mul3A_2, %dma_wait3A_225] : memref<16384x192xf32, #tpu.memory_space<hbm>> -> memref<512x64xf32, #tpu.memory_space<hbm>>
    %dma_wait3A_227 = arith.constant 128 : i32
    %dma_wait3A_228 = tpu.memref_slice %arg8[%mul3A_2, %dma_wait3A_227] : memref<16384x192xf32, #tpu.memory_space<hbm>> -> memref<512x64xf32, #tpu.memory_space<hbm>>
    tpu.wait_dma2 semaphore(%arg17 : memref<!tpu.dma_semaphore, #tpu.memory_space<semaphore_mem>>) src(%arg14 : memref<512x64xf32, #tpu.memory_space<vmem>>) dst(%dma_wait3A_228 : memref<512x64xf32, #tpu.memory_space<hbm>>)
    return
  }
}

</mosaic_0001>

<sc_bundles>
// kernel: kernel.3.cloned.1.call-start
scs
__scs_entry_jumppad:
0x0: {  	(pc) =	sbr.rel $0x88, $3  }
0x1: {  	(tag) =	ssettag $0x0;
	lr =	simm.s32 $0x1  }
0x2: {  	[smem:$0x3F9B] =	sst lr;
	_ =	strace $0xD0000000  }
0x3: {  	_ = 	snop  }
0x4: {  	_ = 	snop  }
0x5: {  	_ = 	snop  }
0x6: {  	_ = 	snop  }
0x7: {  	_ = 	snop  }
__scs_overlays_trampoline_lowered:
0x8: {  	[smem:$0x3FAA] =	sst s0  }
0x9: {  	[smem:$0x3FAB] =	sst s1  }
0xa: {  	[smem:$0x3FAC] =	sst s2  }
0xb: {  	[smem:$0x3FAD] =	sst s3  }
0xc: {  	[smem:$0x3FAE] =	sst s4  }
0xd: {  	[smem:$0x3FAF] =	sst s5  }
0xe: {  	[smem:$0x3FB0] =	sst s6  }
0xf: {  	[smem:$0x3FB1] =	sst s7  }
0x10: {  	[smem:$0x3FB2] =	sst s8  }
0x11: {  	[smem:$0x3FB3] =	sst s9;
	s0 =	simm.s32 @!p0 $0x0  }
0x12: {  	s1 =	sld [smem:$0x3F99];
	s0 =	simm.s32 @p0 $0x1  }
0x13: {  	[smem:$0x3FB4] =	sst s0;
	s0 =	simm.s32 @!p1 $0x0  }
0x14: {  	s2 =	sld [smem:$0x3F98];
	s0 =	simm.s32 @p1 $0x1  }
0x15: {  	[smem:$0x3FB5] =	sst s0;
	s0 =	simm.s32 @!p2 $0x0  }
0x16: {  	s3 =	sld [smem:$0x3FDB];
	s0 =	simm.s32 @p2 $0x1  }
0x17: {  	s4 =	simm.s32 $0x1BF5;
	[smem:$0x3FB7] =	sst s0  }
0x18: {  	s0 =	sld [smem:$0x3F9A];
	_ =	swait.ge [sflag:s4], $0x0  }
0x19: {  	s7 =	sld [smem:$0x3F9B]  }
0x1a: {  	s8 =	sadd.s32 $0xFFFFE003, lr  }
0x1b: {  	s9 =	sadd.s32 $0xFFFFFEF7, lr;
	s5 =	simm.s32 $0xFFFFFFFF;
	p2 =	slt.u32 s8, $0xFFFFF086  }
0x1c: {  	p1 =	slt.u32 s9, $0xF7A;
	s5 =	simm.s32 @!p2 $0x0  }
0x1d: {  	s5 =	simm.s32 @p1 $0x1;
	p0 =	seq.s32 s7, s2  }
0x1e: {  	s7 =	smul.u32 @!p0 $0xF7A, s2;
	p2 =	seq.s32 @!p0 s5, $0x0  }
0x1f: {  	s9 =	smul.u32 $0xF7A, s1;
	s8 =	simm.s32 @!p0 $0x1BF5;
	p2 =	por !p2, p0  }
0x20: {  	[sflag:s8] =	ssyncset.s32 @!p0 $0xFFFFF086;
	s6 =	sadd.s32 @!p0 s3, s7;
	s7 =	simm.s32 @!p0 $0x108  }
0x21: {  	s3 =	sadd.s32 s3, s9;
	s6 =	sadd.s32 @!p0 $0x88, s6;
	s7 =	simm.s32 @p2 $0x1082  }
0x22: {  	[simem:s7], [sflag:s8] =	dma.local @!p0 [hbm:s6], $0xF7A  }
0x23: {  	s9 =	sor.u32 $0xD0000000, s2;
	s6 =	simm.s32 $0x108;
	_ =	swait.ge @!p0 [sflag:s8], $0x0  }
0x24: {  	s3 =	sadd.s32 $0x88, s3;
	s6 =	simm.s32 @!p1 $0x1082;
	[sflag:s4] =	ssyncset.s32 $0xFFFFF086  }
0x25: {  	[simem:s6], [sflag:s4] =	dma.local [hbm:s3], $0xF7A  }
0x26: {  	[smem:$0x3F9B] =	sst s1;
	(tag) =	ssettag s2;
	_ =	strace s9  }
0x27: {  	s1 =	sld [smem:$0x3FAB]  }
0x28: {  	s2 =	sld [smem:$0x3FAC]  }
0x29: {  	s4 =	sld [smem:$0x3FAE]  }
0x2a: {  	p0 =	seq.s32 s5, $0x0;
	s5 =	sld [smem:$0x3FAF]  }
0x2b: {  	s6 =	sld [smem:$0x3FB0]  }
0x2c: {  	s7 =	sld [smem:$0x3FB1]  }
0x2d: {  	s3 =	simm.s32 $0x108;
	s8 =	sld [smem:$0x3FB2]  }
0x2e: {  	s3 =	simm.s32 @!p0 $0x1082;
	s9 =	sld [smem:$0x3FB3]  }
0x2f: {  	lr =	sadd.s32 s0, s3;
	s0 =	sld [smem:$0x3FAA]  }
0x30: {  	s3 =	sld [smem:$0x3FAD]  }
0x31: {  	[smem:$0x3FB6] =	sst s10  }
0x32: {  	s10 =	sld [smem:$0x3FB4];
	_ =	sdelay $0x3  }
0x33: {  	p0 =	seq.s32 s10, $0x1;
	s10 =	sld [smem:$0x3FB6];
	_ =	sdelay $0x3  }
0x34: {  	[smem:$0x3FB6] =	sst s10  }
0x35: {  	s10 =	sld [smem:$0x3FB5];
	_ =	sdelay $0x3  }
0x36: {  	p1 =	seq.s32 s10, $0x1;
	s10 =	sld [smem:$0x3FB6];
	_ =	sdelay $0x3  }
0x37: {  	[smem:$0x3FB6] =	sst s10  }
0x38: {  	s10 =	sld [smem:$0x3FB7]  }
0x39: {  	_ = 	snop;
	(pc) =	sbr.ind lr, $3  }
0x3a: {  	_ = 	snop  }
0x3b: {  	_ = 	snop  }
0x3c: {  	p2 =	seq.s32 s10, $0x1;
	s10 =	sld [smem:$0x3FB6]  }
0x3d: {  	_ =	shalt  }
0x3e: {  	_ =	shalt  }
0x3f: {  	_ =	shalt  }
0x40: {  	_ =	shalt  }
0x41: {  	_ =	shalt  }
0x42: {  	_ =	shalt  }
0x43: {  	_ =	shalt  }
0x44: {  	_ =	shalt  }
0x45: {  	_ =	shalt  }
0x46: {  	_ =	shalt  }
0x47: {  	_ =	shalt  }
0x48: {  	_ =	shalt  }
0x49: {  	_ =	shalt  }
0x4a: {  	_ =	shalt  }
0x4b: {  	_ =	shalt  }
0x4c: {  	_ =	shalt  }
0x4d: {  	_ =	shalt  }
0x4e: {  	_ =	shalt  }
0x4f: {  	_ =	shalt  }
0x50: {  	_ =	shalt  }
0x51: {  	_ =	shalt  }
0x52: {  	_ =	shalt  }
0x53: {  	_ =	shalt  }
0x54: {  	_ =	shalt  }
0x55: {  	_ =	shalt  }
0x56: {  	_ =	shalt  }
0x57: {  	_ =	shalt  }
0x58: {  	_ =	shalt  }
0x59: {  	_ =	shalt  }
0x5a: {  	_ =	shalt  }
0x5b: {  	_ =	shalt  }
0x5c: {  	_ =	shalt  }
0x5d: {  	_ =	shalt  }
0x5e: {  	_ =	shalt  }
0x5f: {  	_ =	shalt  }
0x60: {  	_ =	shalt  }
0x61: {  	_ =	shalt  }
0x62: {  	_ =	shalt  }
0x63: {  	_ =	shalt  }
0x64: {  	_ =	shalt  }
0x65: {  	_ =	shalt  }
0x66: {  	_ =	shalt  }
0x67: {  	_ =	shalt  }
0x68: {  	_ =	shalt  }
0x69: {  	_ =	shalt  }
0x6a: {  	_ =	shalt  }
0x6b: {  	_ =	shalt  }
0x6c: {  	_ =	shalt  }
0x6d: {  	_ =	shalt  }
0x6e: {  	_ =	shalt  }
0x6f: {  	_ =	shalt  }
0x70: {  	_ =	shalt  }
0x71: {  	_ =	shalt  }
0x72: {  	_ =	shalt  }
0x73: {  	_ =	shalt  }
0x74: {  	_ =	shalt  }
0x75: {  	_ =	shalt  }
0x76: {  	_ =	shalt  }
0x77: {  	_ =	shalt  }
0x78: {  	_ =	shalt  }
0x79: {  	_ =	shalt  }
0x7a: {  	_ =	shalt  }
0x7b: {  	_ =	shalt  }
0x7c: {  	_ =	shalt  }
0x7d: {  	_ =	shalt  }
0x7e: {  	_ =	shalt  }
0x7f: {  	_ =	shalt  }
0x80: {  	_ =	shalt  }
0x81: {  	_ =	shalt  }
0x82: {  	_ =	shalt  }
0x83: {  	_ =	shalt  }
0x84: {  	_ =	shalt  }
0x85: {  	_ =	shalt  }
0x86: {  	_ =	shalt  }
0x87: {  	_ =	shalt  }
.Lfunc_end0:
.L_simem_size_0:
called_computation_lowered:
.L_overlay_start_0:
0x88: {  	s2 =	sld [smem:$0x3FD9]  }
0x89: {  	s3 =	sld [smem:$0x3FFE];
	_ =	sdelay $0x1  }
0x8a: {  	s1 =	srdreg.scid  }
0x8b: {  	s0 =	sand.u32 $0x1, s1  }
0x8c: {  	s17 =	sshll.u32 s0, $0xA;
	s2 =	sadd.s32 s3, s2  }
0x8d: {  	s2 =	sadd.s32 s2, s17  }
0x8e: {  	[smem:$0x3FC2] =	sst s2  }
0x8f: {  	_ = 	snop  }
0x90: {  	s2 =	sld [smem:$0x3FC9]  }
0x91: {  	s18 =	sld [smem:$0x3FC8]  }
0x92: {  	s4 =	sld [smem:$0x3FC7]  }
0x93: {  	s5 =	sld [smem:$0x3FD0];
	(tm) =	ssettm $0x1  }
0x94: {  	s6 =	sld [smem:$0x3FFB];
	_ =	sdelay $0x3  }
0x95: {  	_ =	strace s6  }
0x96: {  	s6 =	sld [smem:$0x3FFC];
	_ =	sdelay $0x3  }
0x97: {  	_ =	strace s6  }
0x98: {  	s6 =	sld [smem:$0x3FFD];
	_ =	sdelay $0x3  }
0x99: {  	_ =	strace s6  }
0x9a: {  	_ =	strace $0x8FFFFFFF  }
0x9b: {  	s19 =	sld [smem:$0x3FDB];
	_ =	sdelay $0x1  }
0x9c: {  	s7 =	simm.s32 $_scs_section_size  }
0x9d: {  	s8 =	simm.s32 $_size__tile_overlayer_lowered;
	s9 =	simm.s32 $_tile_overlayer_lowered  }
0x9e: {  	s22 =	simm.s32 $0x1BFF;
	s21 =	sshll.u32 s9, $0x1;
	s6 =	sadd.s32 s7, s19  }
0x9f: {  	s10 =	simm.s32 $0x0;
	s20 =	sshll.u32 s8, $0x1;
	s8 =	sadd.s32 s21, s6  }
0xa0: {  	[timem:s10], [sflag:s22] =	dma.local [hbm:s8], s20  }
0xa1: {  	_ =	swait.ge [sflag:s22], s20  }
0xa2: {  	s7 =	ssub.s32 $0x0, s20;
	[sflag:s22] =	ssyncset.done $0x0  }
0xa3: {  	[sflag:s22] =	ssyncadd.s32 s7;
	_ =	sdelay $0x1  }
0xa4: {  	s23 =	simm.s32 $0x1B8B  }
0xa5: {  	_ =	swait.ge [sflag:s23], $0x1  }
0xa6: {  	[sflag:s23] =	ssyncset.done $0x0  }
0xa7: {  	s25 =	simm.s32 $0x1B8E;
	s24 =	sld [smem:$0x3FFE];
	[sflag:s23] =	ssyncadd.s32 $0xFFFFFFFF  }
0xa8: {  	s26 =	simm.s32 $execute0_lowered;
	[smem:$0x3FD2] =	sst s25  }
0xa9: {  	s8 =	sshll.u32 s26, $0x1;
	_ =	strace $0x80000046;
	[dreg:$0x1] =	wrdreg $0xFFFFFFFF  }
0xaa: {  	s28 =	simm.s32 $_size_execute0_lowered;
	s6 =	sadd.s32 s6, s8;
	[dreg:$0x0] =	wrdreg $0x0  }
0xab: {  	s8 =	sshll.u32 s28, $0x1;
	[dreg:$0x2] =	wrdreg s6  }
0xac: {  	[dreg:$0x3] =	wrdreg s8  }
0xad: {  	[dreg:$0x4] =	wrdreg $0xC0  }
0xae: {  	_ =	task [dreg:s10], $0x5FFFF  }
0xaf: {  	[dreg:$0x1] =	wrdreg $0xFFFFFFFF  }
0xb0: {  	[dreg:$0x0] =	wrdreg $0x60  }
0xb1: {  	[dreg:$0x2] =	wrdreg s24  }
0xb2: {  	[dreg:$0x3] =	wrdreg s2  }
0xb3: {  	[dreg:$0x4] =	wrdreg s18  }
0xb4: {  	[dreg:$0x5] =	wrdreg s4  }
0xb5: {  	[dreg:$0x6] =	wrdreg s5  }
0xb6: {  	[dreg:$0x7] =	wrdreg $0x9  }
0xb7: {  	_ =	task.clear_ibuf [dreg:s10], $0x8FFFF;
	_ =	strace $0x90000046  }
0xb8: {  	s29 =	simm.s32 $0x9;
	_ =	strace $0x80000048  }
0xb9: {  	_ =	swait.ge [sflag:s29], $0x1  }
0xba: {  	[sflag:s29] =	ssyncadd.s32 $0xFFFFFFFF  }
0xbb: {  	_ =	strace $0x90000048  }
0xbc: {  	_ =	sfence  }
0xbd: {  	s30 =	sld [smem:$0x0];
	_ =	sdelay $0x2  }
0xbe: {  	s31 =	sshll.u32 s1, $0xD;
	s1 =	sshrl.u32 s1, $0x2  }
0xbf: {  	s3 =	sand.u32 $0x4000, s31;
	s1 =	sadd.s32 s1, s30  }
0xc0: {  	s0 =	sor.u32 s3, s0;
	s1 =	sshll.u32 s1, $0x11  }
0xc1: {  	s0 =	sor.u32 s1, s0  }
0xc2: {  	s0 =	sadd.s32 $0x8F2B, s0  }
0xc3: {  	[sflag:s0] =	ssyncadd.remote.s32 $0x1  }
0xc4: {  	_ =	sfence.sel $0xFFFF  }
0xc5: {  	[dreg:$0x0] =	wrdreg $0xFFFFFFFF;
	(pc) =	sbr.abs _section_cstart, $3  }
0xc6: {  	[dreg:$0x1] =	wrdreg $0xFFFFFFFF  }
0xc7: {  	_ =	task.clear_ibuf [dreg:s10], $0x2FFFF;
	_ =	strace $0x9FFFFFFF  }
0xc8: {  	(tm) =	ssettm $0x7FFFFFFF  }
0xc9: {  	_ =	shalt  }
tec
execute0_lowered:
.L_overlay_start_1:
0x0: {  	(tag) =	ssettag $0x1  }
0x1: {  	s0 =	rddreg [dreg:$0x0]  }
0x2: {  	s1 =	rddreg [dreg:$0x1]  }
0x3: {  	s2 =	rddreg [dreg:$0x2]  }
0x4: {  	s3 =	rddreg [dreg:$0x3]  }
0x5: {  	s4 =	rddreg [dreg:$0x4];
	s5 =	srdreg.scid  }
0x6: {  	s18 =	stileid.u32;
	s10 =	simm.s32 $0x0;
	s23 =	simm.s32 $0x2600  }
0x7: {  	s24 =	simm.s32 $0x280;
	s13 =	simm.s32 $0x600;
	s25 =	simm.s32 $0xA600  }
0x8: {  	s26 =	simm.s32 $0x480;
	s22 =	simm.s32 $0x4600;
	s28 =	simm.s32 $0x180  }
0x9: {  	s29 =	simm.s32 $0x6600;
	p0 =	por $0x0, $0x0;
	s30 =	simm.s32 $0x380  }
0xa: {  	s31 =	simm.s32 $0xE600;
	s11 =	simm.s32 $0x40;
	[smem:$0x7FF] =	sst s10  }
0xb: {  	s12 =	simm.s32 $0xC0;
	_ =	strace $0x80000047;
	[dreg:$0xb] =	wrdreg s23  }
0xc: {  	s5 =	sand.u32 $0x1, s5;
	s6 =	sshll.u32 s18, $0xA;
	[dreg:$0xc] =	wrdreg s24  }
0xd: {  	s8 =	sadd.s32 $0x2C00, s0;
	s14 =	sadd.s32 $0x600, s0;
	[dreg:$0xd] =	wrdreg s25  }
0xe: {  	s7 =	sshll.u32 s5, $0x9;
	s5 =	ssub.s32 $0x2, s5;
	[dreg:$0xe] =	wrdreg s26  }
0xf: {  	s23 =	simm.s32 $0x300;
	s24 =	simm.s32 $0xC600;
	s25 =	simm.s32 $0x500  }
0x10: {  	s26 =	simm.s32 $0x14600;
	s6 =	sor.u32 s7, s6;
	s7 =	sadd.s32 $0xE600, s0  }
0x11: {  	s17 =	sshrl.u32 s5, $0x1;
	s9 =	sshrl.u32 s6, $0x3;
	s6 =	smul.u32 $0x18, s6  }
0x12: {  	s1 =	sadd.s32 s1, s9;
	s15 =	sadd.s32 s2, s9;
	s16 =	sadd.s32 s3, s9  }
0x13: {  	s2 =	ssub.s32 s5, s17;
	s17 =	simm.s32 $0x400;
	s3 =	simm.s32 $0x2  }
0x14: {  	s9 =	simm.s32 $0x8600;
	[dreg:$0x6] =	wrdreg s1;
	s21 =	smax.u32 s2, $0x1  }
0x15: {  	s5 =	simm.s32 $0x10600;
	[dreg:$0x7] =	wrdreg s15;
	p1 =	sne.s32 s21, $0x1  }
.Ltmp0:
0x16: {  	s6 =	sadd.s32 s4, s6;
	[dreg:$0x8] =	wrdreg s16;
	(pc) =	sbr.rel @!p1 .LBB2_1-.Ltmp0, $4  }
0x17: {  	s16 =	simm.s32 $0x200;
	s4 =	simm.s32 $0x1;
	s2 =	simm.s32 $0x3  }
0x18: {  	s15 =	simm.s32 $0x80;
	s19 =	sadd.s32 $0x8, s6;
	s1 =	rddreg [dreg:$0x6]  }
0x19: {  	s20 =	sadd.s32 $0x10, s6;
	s0 =	sadd.s32 $0xFFFFFFFF, s21;
	[dreg:$0x9] =	wrdreg s19  }
0x1a: {  	[dreg:$0xa] =	wrdreg s20;
	s20 =	simm.s32 $0x580;
	s19 =	simm.s32 $0x16600  }
0x1b: {  	[tilespmem:s10], [sflag:$0x1] =	stream.linear.gather [hbm4b:s1+s10], $0x200, $0x38;
	[tilespmem:$0x18600] =	vst v63  }
0x1c: {  	s18 =	smov.u32 s0;
	s0 =	rddreg [dreg:$0x7]  }
0x1d: {  	[tilespmem:s16], [sflag:$0x2] =	stream.linear.gather [hbm4b:s0+s10], $0x200, $0x38;
	[tilespmem:$0x18600] =	vst v63  }
0x1e: {  	s21 =	rddreg [dreg:$0x8]  }
0x1f: {  	[tilespmem:s17], [sflag:$0x3] =	stream.linear.gather [hbm4b:s21+s10], $0x200, $0x38;
	[tilespmem:$0x18600] =	vst v63  }
0x20: {  	_ =	swait.ge [sflag:s4], $0x200  }
0x21: {  	[sflag:s4] =	ssyncset.done $0x0  }
0x22: {  	[sflag:s4] =	ssyncadd.s32 $0xFFFFFE00  }
0x23: {  	_ =	swait.ge [sflag:s3], $0x200  }
0x24: {  	[sflag:s3] =	ssyncset.done $0x0  }
0x25: {  	[sflag:s3] =	ssyncadd.s32 $0xFFFFFE00  }
0x26: {  	_ =	swait.ge [sflag:s2], $0x200  }
0x27: {  	[sflag:s2] =	ssyncset.done $0x0  }
0x28: {  	[sflag:s2] =	ssyncadd.s32 $0xFFFFFE00  }
0x29: {  	[tilespmem:s13], [sflag:$0x1] =	stream.indirect.gather [hbm4b:s7+s15], $0x40, s10, s15, $0xb8;
	[tilespmem:$0x18600] =	vst v63  }
0x2a: {  	_ = 	snop  }
0x2b: {  	[tilespmem:s9], [sflag:$0x2] =	stream.indirect.gather [hbm4b:s8+s15], $0x40, s16, s15, $0xb8;
	[tilespmem:$0x18600] =	vst v63  }
0x2c: {  	s21 =	rddreg [dreg:$0xd]  }
0x2d: {  	[tilespmem:s5], [sflag:$0x3] =	stream.indirect.gather [hbm4b:s14+s15], $0x40, s17, s15, $0xb8;
	[tilespmem:$0x18600] =	vst v63  }
0x2e: {  	s1 =	rddreg [dreg:$0xb]  }
0x2f: {  	[tilespmem:s1], [sflag:$0x1] =	stream.indirect.gather [hbm4b:s7+s15], $0x40, s15, s15, $0xb8;
	[tilespmem:$0x18600] =	vst v63  }
0x30: {  	s0 =	rddreg [dreg:$0xc]  }
0x31: {  	[tilespmem:s21], [sflag:$0x2] =	stream.indirect.gather [hbm4b:s8+s15], $0x40, s0, s15, $0xb8;
	[tilespmem:$0x18600] =	vst v63  }
0x32: {  	s1 =	rddreg [dreg:$0xe];
	s21 =	simm.s32 $0x12600  }
0x33: {  	[tilespmem:s21], [sflag:$0x3] =	stream.indirect.gather [hbm4b:s14+s15], $0x40, s1, s15, $0xb8;
	[tilespmem:$0x18600] =	vst v63  }
0x34: {  	s1 =	simm.s32 $0x100  }
0x35: {  	[tilespmem:s22], [sflag:$0x1] =	stream.indirect.gather [hbm4b:s7+s15], $0x40, s1, s15, $0xb8;
	[tilespmem:$0x18600] =	vst v63  }
0x36: {  	_ = 	snop  }
0x37: {  	[tilespmem:s24], [sflag:$0x2] =	stream.indirect.gather [hbm4b:s8+s15], $0x40, s23, s15, $0xb8;
	[tilespmem:$0x18600] =	vst v63  }
0x38: {  	_ = 	snop  }
0x39: {  	[tilespmem:s26], [sflag:$0x3] =	stream.indirect.gather [hbm4b:s14+s15], $0x40, s25, s15, $0xb8;
	[tilespmem:$0x18600] =	vst v63  }
0x3a: {  	_ = 	snop  }
0x3b: {  	[tilespmem:s29], [sflag:$0x1] =	stream.indirect.gather [hbm4b:s7+s15], $0x40, s28, s15, $0xb8;
	[tilespmem:$0x18600] =	vst v63  }
0x3c: {  	_ = 	snop  }
0x3d: {  	[tilespmem:s31], [sflag:$0x2] =	stream.indirect.gather [hbm4b:s8+s15], $0x40, s30, s15, $0xb8;
	[tilespmem:$0x18600] =	vst v63  }
0x3e: {  	_ = 	snop  }
0x3f: {  	[tilespmem:s19], [sflag:$0x3] =	stream.indirect.gather [hbm4b:s14+s15], $0x40, s20, s15, $0xb8;
	[tilespmem:$0x18600] =	vst v63  }
0x40: {  	_ =	swait.ge [sflag:s4], $0x2000  }
0x41: {  	[sflag:s4] =	ssyncset.done $0x0  }
0x42: {  	[sflag:s4] =	ssyncadd.s32 $0xFFFFE000  }
0x43: {  	_ =	swait.ge [sflag:s4], $0x2000  }
0x44: {  	[sflag:s4] =	ssyncset.done $0x0  }
0x45: {  	[sflag:s4] =	ssyncadd.s32 $0xFFFFE000  }
0x46: {  	_ =	swait.ge [sflag:s4], $0x2000  }
0x47: {  	[sflag:s4] =	ssyncset.done $0x0  }
0x48: {  	[sflag:s4] =	ssyncadd.s32 $0xFFFFE000  }
0x49: {  	_ =	swait.ge [sflag:s4], $0x2000  }
0x4a: {  	[sflag:s4] =	ssyncset.done $0x0  }
0x4b: {  	[sflag:s4] =	ssyncadd.s32 $0xFFFFE000  }
0x4c: {  	[hbm4b:s6+s11] =	stream.strided.scatter [tilespmem:s13], [sflag:$0x1], $0x8000, s12, s11, $0x38;
	[tilespmem:$0x18600] =	vst v63  }
0x4d: {  	_ =	swait.ge [sflag:s3], $0x2000  }
0x4e: {  	[sflag:s3] =	ssyncset.done $0x0  }
0x4f: {  	[sflag:s3] =	ssyncadd.s32 $0xFFFFE000  }
0x50: {  	_ =	swait.ge [sflag:s3], $0x2000  }
0x51: {  	[sflag:s3] =	ssyncset.done $0x0  }
0x52: {  	[sflag:s3] =	ssyncadd.s32 $0xFFFFE000  }
0x53: {  	_ =	swait.ge [sflag:s3], $0x2000  }
0x54: {  	[sflag:s3] =	ssyncset.done $0x0  }
0x55: {  	[sflag:s3] =	ssyncadd.s32 $0xFFFFE000  }
0x56: {  	_ =	swait.ge [sflag:s3], $0x2000  }
0x57: {  	[sflag:s3] =	ssyncset.done $0x0  }
0x58: {  	s19 =	rddreg [dreg:$0x9];
	[sflag:s3] =	ssyncadd.s32 $0xFFFFE000  }
0x59: {  	[hbm4b:s19+s11] =	stream.strided.scatter [tilespmem:s9], [sflag:$0x2], $0x8000, s12, s11, $0x38;
	[tilespmem:$0x18600] =	vst v63  }
0x5a: {  	_ =	swait.ge [sflag:s2], $0x2000  }
0x5b: {  	[sflag:s2] =	ssyncset.done $0x0  }
0x5c: {  	[sflag:s2] =	ssyncadd.s32 $0xFFFFE000  }
0x5d: {  	_ =	swait.ge [sflag:s2], $0x2000  }
0x5e: {  	[sflag:s2] =	ssyncset.done $0x0  }
0x5f: {  	[sflag:s2] =	ssyncadd.s32 $0xFFFFE000  }
0x60: {  	_ =	swait.ge [sflag:s2], $0x2000  }
0x61: {  	[sflag:s2] =	ssyncset.done $0x0  }
0x62: {  	[sflag:s2] =	ssyncadd.s32 $0xFFFFE000  }
0x63: {  	_ =	swait.ge [sflag:s2], $0x2000  }
0x64: {  	[sflag:s2] =	ssyncset.done $0x0  }
0x65: {  	s21 =	rddreg [dreg:$0xa];
	[sflag:s2] =	ssyncadd.s32 $0xFFFFE000  }
0x66: {  	[hbm4b:s21+s11] =	stream.strided.scatter [tilespmem:s5], [sflag:$0x3], $0x8000, s12, s11, $0x38;
	[tilespmem:$0x18600] =	vst v63  }
0x67: {  	_ =	swait.ge [sflag:s4], $0x8000  }
0x68: {  	[sflag:s4] =	ssyncset.done $0x0  }
0x69: {  	p1 =	sne.s32 s18, $0x1;
	[sflag:s4] =	ssyncadd.s32 $0xFFFF8000  }
.Ltmp1:
0x6a: {  	_ =	swait.ge [sflag:s3], $0x8000;
	(pc) =	sbr.rel @!p1 .LBB2_3-.Ltmp1, $4  }
0x6b: {  	[sflag:s3] =	ssyncset.done $0x0  }
0x6c: {  	[sflag:s3] =	ssyncadd.s32 $0xFFFF8000  }
0x6d: {  	p0 =	por $0x1, $0x1;
	s0 =	sadd.s32 $0xFFFFFFFF, s18;
	_ =	swait.ge [sflag:s2], $0x8000  }
0x6e: {  	s21 =	simm.s32 $0x16600;
	s1 =	rddreg [dreg:$0x6];
	[sflag:s2] =	ssyncset.done $0x0  }
.LBB2_4:
0x6f: {  	[sflag:s2] =	ssyncadd.s32 $0xFFFF8000  }
0x70: {  	[tilespmem:s10], [sflag:$0x1] =	stream.linear.gather [hbm4b:s1+s10], $0x200, $0x38;
	[tilespmem:$0x18600] =	vst v63  }
0x71: {  	s18 =	rddreg [dreg:$0x7]  }
0x72: {  	[tilespmem:s16], [sflag:$0x2] =	stream.linear.gather [hbm4b:s18+s10], $0x200, $0x38;
	[tilespmem:$0x18600] =	vst v63  }
0x73: {  	s19 =	rddreg [dreg:$0x8]  }
0x74: {  	[tilespmem:s17], [sflag:$0x3] =	stream.linear.gather [hbm4b:s19+s10], $0x200, $0x38;
	[tilespmem:$0x18600] =	vst v63  }
0x75: {  	_ =	swait.ge [sflag:s4], $0x200  }
0x76: {  	[sflag:s4] =	ssyncset.done $0x0  }
0x77: {  	[sflag:s4] =	ssyncadd.s32 $0xFFFFFE00  }
0x78: {  	_ =	swait.ge [sflag:s3], $0x200  }
0x79: {  	[sflag:s3] =	ssyncset.done $0x0  }
0x7a: {  	[sflag:s3] =	ssyncadd.s32 $0xFFFFFE00  }
0x7b: {  	_ =	swait.ge [sflag:s2], $0x200  }
0x7c: {  	[sflag:s2] =	ssyncset.done $0x0  }
0x7d: {  	[sflag:s2] =	ssyncadd.s32 $0xFFFFFE00  }
0x7e: {  	[tilespmem:s13], [sflag:$0x1] =	stream.indirect.gather [hbm4b:s7+s15], $0x40, s10, s15, $0xb8;
	[tilespmem:$0x18600] =	vst v63  }
0x7f: {  	_ = 	snop  }
0x80: {  	[tilespmem:s9], [sflag:$0x2] =	stream.indirect.gather [hbm4b:s8+s15], $0x40, s16, s15, $0xb8;
	[tilespmem:$0x18600] =	vst v63  }
0x81: {  	s1 =	rddreg [dreg:$0xd]  }
0x82: {  	[tilespmem:s5], [sflag:$0x3] =	stream.indirect.gather [hbm4b:s14+s15], $0x40, s17, s15, $0xb8;
	[tilespmem:$0x18600] =	vst v63  }
0x83: {  	s18 =	rddreg [dreg:$0xb]  }
0x84: {  	[tilespmem:s18], [sflag:$0x1] =	stream.indirect.gather [hbm4b:s7+s15], $0x40, s15, s15, $0xb8;
	[tilespmem:$0x18600] =	vst v63  }
0x85: {  	s19 =	rddreg [dreg:$0xc]  }
0x86: {  	[tilespmem:s1], [sflag:$0x2] =	stream.indirect.gather [hbm4b:s8+s15], $0x40, s19, s15, $0xb8;
	[tilespmem:$0x18600] =	vst v63  }
0x87: {  	s18 =	rddreg [dreg:$0xe];
	s19 =	simm.s32 $0x12600  }
0x88: {  	[tilespmem:s19], [sflag:$0x3] =	stream.indirect.gather [hbm4b:s14+s15], $0x40, s18, s15, $0xb8;
	[tilespmem:$0x18600] =	vst v63  }
0x89: {  	s19 =	simm.s32 $0x100  }
0x8a: {  	[tilespmem:s22], [sflag:$0x1] =	stream.indirect.gather [hbm4b:s7+s15], $0x40, s19, s15, $0xb8;
	[tilespmem:$0x18600] =	vst v63  }
0x8b: {  	_ = 	snop  }
0x8c: {  	[tilespmem:s24], [sflag:$0x2] =	stream.indirect.gather [hbm4b:s8+s15], $0x40, s23, s15, $0xb8;
	[tilespmem:$0x18600] =	vst v63  }
0x8d: {  	_ = 	snop  }
0x8e: {  	[tilespmem:s26], [sflag:$0x3] =	stream.indirect.gather [hbm4b:s14+s15], $0x40, s25, s15, $0xb8;
	[tilespmem:$0x18600] =	vst v63  }
0x8f: {  	_ = 	snop  }
0x90: {  	[tilespmem:s29], [sflag:$0x1] =	stream.indirect.gather [hbm4b:s7+s15], $0x40, s28, s15, $0xb8;
	[tilespmem:$0x18600] =	vst v63  }
0x91: {  	_ = 	snop  }
0x92: {  	[tilespmem:s31], [sflag:$0x2] =	stream.indirect.gather [hbm4b:s8+s15], $0x40, s30, s15, $0xb8;
	[tilespmem:$0x18600] =	vst v63  }
0x93: {  	_ = 	snop  }
0x94: {  	[tilespmem:s21], [sflag:$0x3] =	stream.indirect.gather [hbm4b:s14+s15], $0x40, s20, s15, $0xb8;
	[tilespmem:$0x18600] =	vst v63  }
0x95: {  	_ =	swait.ge [sflag:s4], $0x2000  }
0x96: {  	[sflag:s4] =	ssyncset.done $0x0  }
0x97: {  	[sflag:s4] =	ssyncadd.s32 $0xFFFFE000  }
0x98: {  	_ =	swait.ge [sflag:s4], $0x2000  }
0x99: {  	[sflag:s4] =	ssyncset.done $0x0  }
0x9a: {  	[sflag:s4] =	ssyncadd.s32 $0xFFFFE000  }
0x9b: {  	_ =	swait.ge [sflag:s4], $0x2000  }
0x9c: {  	[sflag:s4] =	ssyncset.done $0x0  }
0x9d: {  	[sflag:s4] =	ssyncadd.s32 $0xFFFFE000  }
0x9e: {  	_ =	swait.ge [sflag:s4], $0x2000  }
0x9f: {  	[sflag:s4] =	ssyncset.done $0x0  }
0xa0: {  	[sflag:s4] =	ssyncadd.s32 $0xFFFFE000  }
0xa1: {  	[hbm4b:s6+s11] =	stream.strided.scatter [tilespmem:s13], [sflag:$0x1], $0x8000, s12, s11, $0x38;
	[tilespmem:$0x18600] =	vst v63  }
0xa2: {  	_ =	swait.ge [sflag:s3], $0x2000  }
0xa3: {  	[sflag:s3] =	ssyncset.done $0x0  }
0xa4: {  	[sflag:s3] =	ssyncadd.s32 $0xFFFFE000  }
0xa5: {  	_ =	swait.ge [sflag:s3], $0x2000  }
0xa6: {  	[sflag:s3] =	ssyncset.done $0x0  }
0xa7: {  	[sflag:s3] =	ssyncadd.s32 $0xFFFFE000  }
0xa8: {  	_ =	swait.ge [sflag:s3], $0x2000  }
0xa9: {  	[sflag:s3] =	ssyncset.done $0x0  }
0xaa: {  	[sflag:s3] =	ssyncadd.s32 $0xFFFFE000  }
0xab: {  	_ =	swait.ge [sflag:s3], $0x2000  }
0xac: {  	[sflag:s3] =	ssyncset.done $0x0  }
0xad: {  	s18 =	rddreg [dreg:$0x9];
	[sflag:s3] =	ssyncadd.s32 $0xFFFFE000  }
0xae: {  	[hbm4b:s18+s11] =	stream.strided.scatter [tilespmem:s9], [sflag:$0x2], $0x8000, s12, s11, $0x38;
	[tilespmem:$0x18600] =	vst v63  }
0xaf: {  	_ =	swait.ge [sflag:s2], $0x2000  }
0xb0: {  	[sflag:s2] =	ssyncset.done $0x0  }
0xb1: {  	[sflag:s2] =	ssyncadd.s32 $0xFFFFE000  }
0xb2: {  	_ =	swait.ge [sflag:s2], $0x2000  }
0xb3: {  	[sflag:s2] =	ssyncset.done $0x0  }
0xb4: {  	[sflag:s2] =	ssyncadd.s32 $0xFFFFE000  }
0xb5: {  	_ =	swait.ge [sflag:s2], $0x2000  }
0xb6: {  	[sflag:s2] =	ssyncset.done $0x0  }
0xb7: {  	[sflag:s2] =	ssyncadd.s32 $0xFFFFE000  }
0xb8: {  	_ =	swait.ge [sflag:s2], $0x2000  }
0xb9: {  	[sflag:s2] =	ssyncset.done $0x0  }
0xba: {  	s19 =	rddreg [dreg:$0xa];
	[sflag:s2] =	ssyncadd.s32 $0xFFFFE000  }
0xbb: {  	[hbm4b:s19+s11] =	stream.strided.scatter [tilespmem:s5], [sflag:$0x3], $0x8000, s12, s11, $0x38;
	[tilespmem:$0x18600] =	vst v63  }
0xbc: {  	_ =	swait.ge [sflag:s4], $0x8000  }
0xbd: {  	[sflag:s4] =	ssyncset.done $0x0  }
0xbe: {  	p1 =	sne.s32 s0, $0x1;
	[sflag:s4] =	ssyncadd.s32 $0xFFFF8000  }
.Ltmp2:
0xbf: {  	_ =	swait.ge [sflag:s3], $0x8000;
	(pc) =	sbr.rel @p1 .LBB2_4-.Ltmp2, $4  }
0xc0: {  	[sflag:s3] =	ssyncset.done $0x0  }
0xc1: {  	[sflag:s3] =	ssyncadd.s32 $0xFFFF8000  }
0xc2: {  	_ =	swait.ge [sflag:s2], $0x8000  }
0xc3: {  	s0 =	sadd.s32 $0xFFFFFFFF, s0;
	s1 =	rddreg [dreg:$0x6];
	[sflag:s2] =	ssyncset.done $0x0  }
0xc4: {  	s19 =	simm.s32 $0x580  }
0xc5: {  	s31 =	simm.s32 $0xE600;
	s30 =	simm.s32 $0x380;
	s29 =	simm.s32 $0x6600  }
0xc6: {  	s28 =	simm.s32 $0x180;
	s26 =	simm.s32 $0x14600;
	s25 =	simm.s32 $0x500  }
0xc7: {  	s24 =	simm.s32 $0xC600;
	s23 =	simm.s32 $0x300;
	s22 =	simm.s32 $0x4600  }
0xc8: {  	s21 =	simm.s32 $0x100;
	s20 =	simm.s32 $0x12600;
	s18 =	stileid.u32  }
.LBB2_6:
0xc9: {  	[sflag:s2] =	ssyncadd.s32 @p0 $0xFFFF8000  }
0xca: {  	[tilespmem:s10], [sflag:$0x1] =	stream.linear.gather [hbm4b:s1+s10], $0x200, $0x38;
	[tilespmem:$0x18600] =	vst v63  }
0xcb: {  	s0 =	rddreg [dreg:$0x7]  }
0xcc: {  	[tilespmem:s16], [sflag:$0x2] =	stream.linear.gather [hbm4b:s0+s10], $0x200, $0x38;
	[tilespmem:$0x18600] =	vst v63  }
0xcd: {  	s1 =	rddreg [dreg:$0x8]  }
0xce: {  	[tilespmem:s17], [sflag:$0x3] =	stream.linear.gather [hbm4b:s1+s10], $0x200, $0x38;
	[tilespmem:$0x18600] =	vst v63  }
0xcf: {  	_ =	swait.ge [sflag:s4], $0x200  }
0xd0: {  	[sflag:s4] =	ssyncset.done $0x0  }
0xd1: {  	[sflag:s4] =	ssyncadd.s32 $0xFFFFFE00  }
0xd2: {  	_ =	swait.ge [sflag:s3], $0x200  }
0xd3: {  	[sflag:s3] =	ssyncset.done $0x0  }
0xd4: {  	[sflag:s3] =	ssyncadd.s32 $0xFFFFFE00  }
0xd5: {  	_ =	swait.ge [sflag:s2], $0x200  }
0xd6: {  	[sflag:s2] =	ssyncset.done $0x0  }
0xd7: {  	[sflag:s2] =	ssyncadd.s32 $0xFFFFFE00  }
0xd8: {  	[tilespmem:s13], [sflag:$0x1] =	stream.indirect.gather [hbm4b:s7+s15], $0x40, s10, s15, $0xb8;
	[tilespmem:$0x18600] =	vst v63  }
0xd9: {  	_ = 	snop  }
0xda: {  	[tilespmem:s9], [sflag:$0x2] =	stream.indirect.gather [hbm4b:s8+s15], $0x40, s16, s15, $0xb8;
	[tilespmem:$0x18600] =	vst v63  }
0xdb: {  	s1 =	rddreg [dreg:$0xb]  }
0xdc: {  	[tilespmem:s5], [sflag:$0x3] =	stream.indirect.gather [hbm4b:s14+s15], $0x40, s17, s15, $0xb8;
	[tilespmem:$0x18600] =	vst v63  }
0xdd: {  	s10 =	rddreg [dreg:$0xd]  }
0xde: {  	[tilespmem:s1], [sflag:$0x1] =	stream.indirect.gather [hbm4b:s7+s15], $0x40, s15, s15, $0xb8;
	[tilespmem:$0x18600] =	vst v63  }
0xdf: {  	s16 =	rddreg [dreg:$0xc]  }
0xe0: {  	[tilespmem:s10], [sflag:$0x2] =	stream.indirect.gather [hbm4b:s8+s15], $0x40, s16, s15, $0xb8;
	[tilespmem:$0x18600] =	vst v63  }
0xe1: {  	s17 =	rddreg [dreg:$0xe]  }
0xe2: {  	[tilespmem:s20], [sflag:$0x3] =	stream.indirect.gather [hbm4b:s14+s15], $0x40, s17, s15, $0xb8;
	[tilespmem:$0x18600] =	vst v63  }
0xe3: {  	_ = 	snop  }
0xe4: {  	[tilespmem:s22], [sflag:$0x1] =	stream.indirect.gather [hbm4b:s7+s15], $0x40, s21, s15, $0xb8;
	[tilespmem:$0x18600] =	vst v63  }
0xe5: {  	_ = 	snop  }
0xe6: {  	[tilespmem:s24], [sflag:$0x2] =	stream.indirect.gather [hbm4b:s8+s15], $0x40, s23, s15, $0xb8;
	[tilespmem:$0x18600] =	vst v63  }
0xe7: {  	_ = 	snop  }
0xe8: {  	[tilespmem:s26], [sflag:$0x3] =	stream.indirect.gather [hbm4b:s14+s15], $0x40, s25, s15, $0xb8;
	[tilespmem:$0x18600] =	vst v63  }
0xe9: {  	_ = 	snop  }
0xea: {  	[tilespmem:s29], [sflag:$0x1] =	stream.indirect.gather [hbm4b:s7+s15], $0x40, s28, s15, $0xb8;
	[tilespmem:$0x18600] =	vst v63  }
0xeb: {  	_ = 	snop  }
0xec: {  	[tilespmem:s31], [sflag:$0x2] =	stream.indirect.gather [hbm4b:s8+s15], $0x40, s30, s15, $0xb8;
	[tilespmem:$0x18600] =	vst v63  }
0xed: {  	s29 =	simm.s32 $0x16600  }
0xee: {  	[tilespmem:s29], [sflag:$0x3] =	stream.indirect.gather [hbm4b:s14+s15], $0x40, s19, s15, $0xb8;
	[tilespmem:$0x18600] =	vst v63  }
0xef: {  	_ =	swait.ge [sflag:s4], $0x2000  }
0xf0: {  	[sflag:s4] =	ssyncset.done $0x0  }
0xf1: {  	[sflag:s4] =	ssyncadd.s32 $0xFFFFE000  }
0xf2: {  	_ =	swait.ge [sflag:s4], $0x2000  }
0xf3: {  	[sflag:s4] =	ssyncset.done $0x0  }
0xf4: {  	[sflag:s4] =	ssyncadd.s32 $0xFFFFE000  }
0xf5: {  	_ =	swait.ge [sflag:s4], $0x2000  }
0xf6: {  	[sflag:s4] =	ssyncset.done $0x0  }
0xf7: {  	[sflag:s4] =	ssyncadd.s32 $0xFFFFE000  }
0xf8: {  	_ =	swait.ge [sflag:s4], $0x2000  }
0xf9: {  	[sflag:s4] =	ssyncset.done $0x0  }
0xfa: {  	[sflag:s4] =	ssyncadd.s32 $0xFFFFE000  }
0xfb: {  	[hbm4b:s6+s11] =	stream.strided.scatter [tilespmem:s13], [sflag:$0x1], $0x8000, s12, s11, $0x38;
	[tilespmem:$0x18600] =	vst v63  }
0xfc: {  	_ =	swait.ge [sflag:s3], $0x2000  }
0xfd: {  	[sflag:s3] =	ssyncset.done $0x0  }
0xfe: {  	[sflag:s3] =	ssyncadd.s32 $0xFFFFE000  }
0xff: {  	_ =	swait.ge [sflag:s3], $0x2000  }
0x100: {  	[sflag:s3] =	ssyncset.done $0x0  }
0x101: {  	[sflag:s3] =	ssyncadd.s32 $0xFFFFE000  }
0x102: {  	_ =	swait.ge [sflag:s3], $0x2000  }
0x103: {  	[sflag:s3] =	ssyncset.done $0x0  }
0x104: {  	[sflag:s3] =	ssyncadd.s32 $0xFFFFE000  }
0x105: {  	_ =	swait.ge [sflag:s3], $0x2000  }
0x106: {  	[sflag:s3] =	ssyncset.done $0x0  }
0x107: {  	s30 =	rddreg [dreg:$0x9];
	[sflag:s3] =	ssyncadd.s32 $0xFFFFE000  }
0x108: {  	[hbm4b:s30+s11] =	stream.strided.scatter [tilespmem:s9], [sflag:$0x2], $0x8000, s12, s11, $0x38;
	[tilespmem:$0x18600] =	vst v63  }
0x109: {  	_ =	swait.ge [sflag:s2], $0x2000  }
0x10a: {  	[sflag:s2] =	ssyncset.done $0x0  }
0x10b: {  	[sflag:s2] =	ssyncadd.s32 $0xFFFFE000  }
0x10c: {  	_ =	swait.ge [sflag:s2], $0x2000  }
0x10d: {  	[sflag:s2] =	ssyncset.done $0x0  }
0x10e: {  	[sflag:s2] =	ssyncadd.s32 $0xFFFFE000  }
0x10f: {  	_ =	swait.ge [sflag:s2], $0x2000  }
0x110: {  	[sflag:s2] =	ssyncset.done $0x0  }
0x111: {  	[sflag:s2] =	ssyncadd.s32 $0xFFFFE000  }
0x112: {  	_ =	swait.ge [sflag:s2], $0x2000  }
0x113: {  	[sflag:s2] =	ssyncset.done $0x0  }
0x114: {  	s31 =	rddreg [dreg:$0xa];
	[sflag:s2] =	ssyncadd.s32 $0xFFFFE000  }
0x115: {  	[hbm4b:s31+s11] =	stream.strided.scatter [tilespmem:s5], [sflag:$0x3], $0x8000, s12, s11, $0x38;
	[tilespmem:$0x18600] =	vst v63  }
0x116: {  	_ =	swait.ge [sflag:s4], $0x8000  }
0x117: {  	[sflag:s4] =	ssyncset.done $0x0  }
0x118: {  	[sflag:s4] =	ssyncadd.s32 $0xFFFF8000  }
0x119: {  	_ =	swait.ge [sflag:s3], $0x8000  }
0x11a: {  	[sflag:s3] =	ssyncset.done $0x0  }
0x11b: {  	[sflag:s3] =	ssyncadd.s32 $0xFFFF8000  }
0x11c: {  	_ =	swait.ge [sflag:s2], $0x8000  }
0x11d: {  	[sflag:s2] =	ssyncset.done $0x0  }
0x11e: {  	[sflag:s2] =	ssyncadd.s32 $0xFFFF8000  }
0x11f: {  	_ =	sfence.sel $0x180000  }
0x120: {  	[bflag:$0x0] =	sbarrier.arrive $0xFFFF  }
0x121: {  	_ =	strace $0x90000047  }
0x122: {  	[bflag:$0x2] =	sbarrier.arrive $0xFFFF  }
0x123: {  	p0 =	sne.s32 s18, $0x0;
	s0 =	rddreg [dreg:$0x5]  }
0x124: {  	s0 =	sadd.s32 @!p0 $0x100000, s0  }
0x125: {  	[sflag:s0] =	ssyncadd.tile.s32 @!p0 $0x1;
	_ =	shalt  }
.LBB2_1:
.Ltmp3:
0x126: {  	(pc) =	sbr.rel .LBB2_6-.Ltmp3, $4  }
0x127: {  	s19 =	simm.s32 $0x580;
	s31 =	simm.s32 $0xE600;
	s30 =	simm.s32 $0x380  }
0x128: {  	s29 =	simm.s32 $0x6600;
	s28 =	simm.s32 $0x180;
	s26 =	simm.s32 $0x14600  }
0x129: {  	s25 =	simm.s32 $0x500;
	s24 =	simm.s32 $0xC600;
	s23 =	simm.s32 $0x300  }
0x12a: {  	s22 =	simm.s32 $0x4600;
	s21 =	simm.s32 $0x100;
	s20 =	simm.s32 $0x12600  }
.LBB2_3:
.Ltmp4:
0x12b: {  	s19 =	simm.s32 $0x580;
	(pc) =	sbr.rel .LBB2_6-.Ltmp4, $4  }
0x12c: {  	s31 =	simm.s32 $0xE600;
	s30 =	simm.s32 $0x380;
	s29 =	simm.s32 $0x6600  }
0x12d: {  	s28 =	simm.s32 $0x180;
	s26 =	simm.s32 $0x14600;
	s25 =	simm.s32 $0x500  }
0x12e: {  	s24 =	simm.s32 $0xC600;
	s23 =	simm.s32 $0x300;
	s22 =	simm.s32 $0x4600  }
0x12f: {  	s21 =	simm.s32 $0x100;
	s20 =	simm.s32 $0x12600;
	s18 =	stileid.u32  }
.Lfunc_end2:
_tile_overlayer_lowered:
.L_overlay_start_2:
0x130: {  	(tag) =	ssettag $0x2  }
0x131: {  	s0 =	rddreg [dreg:$0x0];
	s2 =	stileid.u32  }
0x132: {  	s1 =	rddreg [dreg:$0x1];
	p0 =	sne.s32 s2, $0x0  }
0x133: {  	s3 =	rddreg [dreg:$0x2];
	[bflag:$0x3] =	sbarrier.arrive $0xFFFF;
	s2 =	simm.s32 @!p0 $0x1C04  }
0x134: {  	[timem:s3], [sflag:s2] =	dma.local @!p0 [hbm:s0], s1  }
0x135: {  	s0 =	simm.s32 @!p0 $0x4  }
0x136: {  	_ =	swait.ge @!p0 [sflag:s0], s1  }
0x137: {  	s1 =	ssub.s32 @!p0 $0x0, s1;
	[sflag:s0] =	ssyncset.done @!p0 $0x0  }
0x138: {  	[sflag:s0] =	ssyncadd.s32 @!p0 s1  }
0x139: {  	[bflag:$0x3] =	sbarrier.arrive $0xFFFF  }
0x13a: {  	_ =	shalt  }

</sc_bundles>
